<compile_context>
chip_gen: v7x
topology: tpu7x:2x2x1
jax: 0.10.2.dev20260603
libtpu: 0.0.44.dev20260713+nightly
codegen_flags: <defaults>
</compile_context>

<pallas_src>
import functools

import jax
import jax.numpy as jnp
from jax import lax
from jax.experimental import pallas as pl
from jax.experimental.pallas import tpu as pltpu
from jax.experimental.pallas import tpu_sc as plsc

N = 10000
E = 320000
Q = 128
DT = 0.1
MAX_XI = 75.0

NC = 2
NS = 16
NW = NC * NS
QPW = Q // NW
NPW = QPW * N
KE = 2560
NCH = E // KE
UNROLL = 2
IPV = KE // (16 * UNROLL)
KN = 2000
IPV3 = KN // 16


@functools.partial(
    pl.kernel,
    mesh=plsc.VectorSubcoreMesh(core_axis_name="c", subcore_axis_name="s"),
    out_type=jax.ShapeDtypeStruct((Q * N,), jnp.float32),
    compiler_params=pltpu.CompilerParams(needs_layout_passes=False),
    scratch_types=[
        pltpu.VMEM((NPW,), jnp.float32),
        pltpu.VMEM((NPW,), jnp.float32),
        pltpu.VMEM((N + 16,), jnp.float32),
        pltpu.VMEM((N + 16,), jnp.float32),
        pltpu.VMEM((2 * KE,), jnp.int32),
        pltpu.VMEM((2 * KE,), jnp.int32),
        pltpu.VMEM((2 * KE,), jnp.float32),
        pltpu.VMEM((KN,), jnp.float32),
        pltpu.VMEM((KN,), jnp.float32),
        pltpu.VMEM((KN,), jnp.float32),
        pltpu.SemaphoreType.DMA,
        pltpu.SemaphoreType.DMA,
        pltpu.SemaphoreType.DMA,
        pltpu.SemaphoreType.DMA,
        pltpu.SemaphoreType.DMA,
        pltpu.SemaphoreType.DMA,
    ],
)
def _sc_step(fP, collP, srcP, w_hbm, src_hbm, dst_hbm, out,
             f_v, acc_v, deg_v, s_v, esrc, edst, ew, cb, sb, ob,
             sem_s0, sem_s1, sem_d0, sem_d1, sem_w0, sem_w1):
    wid = lax.axis_index("s") * NC + lax.axis_index("c")
    base = wid * NPW
    sem_s = (sem_s0, sem_s1)
    sem_d = (sem_d0, sem_d1)
    sem_w = (sem_w0, sem_w1)

    zeros = jnp.zeros((16,), jnp.float32)
    ones = jnp.full((16,), 1.0, jnp.float32)

    pltpu.sync_copy(fP.at[pl.ds(base, NPW)], f_v)

    def _init_f(i, c):
        sl = pl.ds(i * 16, 16)
        f_v[sl] = jnp.maximum(f_v[sl], 0.0)
        acc_v[sl] = zeros
        return c

    lax.fori_loop(0, NPW // 16, _init_f, 0)

    def _init_n(i, c):
        sl = pl.ds(i * 16, 16)
        deg_v[sl] = zeros
        s_v[sl] = zeros
        return c

    lax.fori_loop(0, (N + 16) // 16, _init_n, 0)

    def _p1_start(j, slot):
        pltpu.make_async_copy(src_hbm.at[pl.ds(j * KE, KE)],
                              esrc.at[pl.ds(slot * KE, KE)], sem_s[slot]).start()

    def _p1_wait(j, slot):
        pltpu.make_async_copy(src_hbm.at[pl.ds(j * KE, KE)],
                              esrc.at[pl.ds(slot * KE, KE)], sem_s[slot]).wait()

    def _p1_proc(slot):
        def ib(i, c):
            b = slot * KE + i * 64
            for u in range(4):
                idx = esrc[pl.ds(b + u * 16, 16)]
                plsc.addupdate_scatter(deg_v, [idx], ones)
            return c

        lax.fori_loop(0, KE // 64, ib, 0)

    def _pipeline(start, wait, process):
        start(0, 0)

        def body(g, carry):
            j0 = g * 2

            @pl.when(j0 + 1 < NCH)
            def _():
                start(j0 + 1, 1)

            wait(j0, 0)
            process(0)

            @pl.when(j0 + 2 < NCH)
            def _():
                start(j0 + 2, 0)

            @pl.when(j0 + 1 < NCH)
            def _():
                wait(j0 + 1, 1)
                process(1)

            return carry

        lax.fori_loop(0, (NCH + 1) // 2, body, 0)

    _pipeline(_p1_start, _p1_wait, _p1_proc)

    def _inv(i, c):
        sl = pl.ds(i * 16, 16)
        deg_v[sl] = 1.0 / deg_v[sl]
        return c

    lax.fori_loop(0, N // 16, _inv, 0)

    def _p2_start(j, slot):
        sl_h = pl.ds(j * KE, KE)
        sl_v = pl.ds(slot * KE, KE)
        pltpu.make_async_copy(src_hbm.at[sl_h], esrc.at[sl_v], sem_s[slot]).start()
        pltpu.make_async_copy(dst_hbm.at[sl_h], edst.at[sl_v], sem_d[slot]).start()
        pltpu.make_async_copy(w_hbm.at[sl_h], ew.at[sl_v], sem_w[slot]).start()

    def _p2_wait(j, slot):
        sl_h = pl.ds(j * KE, KE)
        sl_v = pl.ds(slot * KE, KE)
        pltpu.make_async_copy(src_hbm.at[sl_h], esrc.at[sl_v], sem_s[slot]).wait()
        pltpu.make_async_copy(dst_hbm.at[sl_h], edst.at[sl_v], sem_d[slot]).wait()
        pltpu.make_async_copy(w_hbm.at[sl_h], ew.at[sl_v], sem_w[slot]).wait()

    def _p2_proc(slot):
        def ib(i, carry):
            b = slot * KE + i * (16 * UNROLL)
            st = []
            for u in range(UNROLL):
                sl = pl.ds(b + u * 16, 16)
                s = esrc[sl]
                d = edst[sl]
                wv = ew[sl]
                c = wv * plsc.load_gather(deg_v, [s])
                s4 = s * 4
                d4 = d * 4
                fd = [plsc.load_gather(f_v, [d4 + q]) for q in range(QPW)]
                fs = [plsc.load_gather(f_v, [s4 + q]) for q in range(QPW)]
                st.append((s, d, s4, d4, c, fd, fs))
            for s, d, s4, d4, c, fd, fs in st:
                plsc.addupdate_scatter(s_v, [s], c)
                plsc.addupdate_scatter(s_v, [d], c)
                for q in range(QPW):
                    plsc.addupdate_scatter(acc_v, [s4 + q], c * fd[q])
                    plsc.addupdate_scatter(acc_v, [d4 + q], c * fs[q])
            return carry

        lax.fori_loop(0, IPV, ib, 0)

    _pipeline(_p2_start, _p2_wait, _p2_proc)

    lane = lax.iota(jnp.int32, 16)
    xi_vec = (wid * QPW + lane % 4).astype(jnp.float32) * jnp.float32(
        MAX_XI / (Q - 1))
    sperm = lane >> 2

    def ck_body(ck, carry):
        hb = base + ck * KN
        pltpu.sync_copy(collP.at[pl.ds(hb, KN)], cb)
        pltpu.sync_copy(srcP.at[pl.ds(hb, KN)], sb)

        def ib(i, cc):
            sl = pl.ds(i * 16, 16)
            lo = pl.ds(ck * KN + i * 16, 16)
            fl = f_v[lo]
            sv16 = s_v[pl.ds(ck * (KN // 4) + i * 4, 16)]
            sexp = lax.gather(
                sv16, sperm.reshape(16, 1),
                lax.GatherDimensionNumbers(offset_dims=(),
                                           collapsed_slice_dims=(0,),
                                           start_index_map=(0,)),
                (1,), mode=lax.GatherScatterMode.PROMISE_IN_BOUNDS)
            tr = xi_vec * (acc_v[lo] - sexp * fl)
            o = fl - DT * (tr - cb[sl] - sb[sl])
            ob[sl] = jnp.maximum(o, 0.0)
            return cc

        lax.fori_loop(0, IPV3, ib, 0)
        pltpu.sync_copy(ob, out.at[pl.ds(hb, KN)])
        return carry

    lax.fori_loop(0, NPW // KN, ck_body, 0)


def kernel(f_distribution, collision_term, source_term, edge_weight, edge_index):
    def pack(x):
        return jnp.transpose(x.reshape(N, NW, QPW), (1, 0, 2)).reshape(-1)

    fP = pack(f_distribution)
    collP = pack(collision_term)
    srcP = pack(source_term)
    src = edge_index[0].astype(jnp.int32)
    dst = edge_index[1].astype(jnp.int32)
    outP = _sc_step(fP, collP, srcP, edge_weight, src, dst)
    return jnp.transpose(outP.reshape(NW, N, QPW), (1, 0, 2)).reshape(N, Q)

# --- scband reference (transcript-rebuilt; emitter-appended) ---
"""Pipeline reference for scband-kinetic-forecasting-framework-33706903339137 (READ-ONLY COPY).

The authoritative reference and input builder live on the scoring server;
editing this copy changes nothing except your own understanding.
"""

import jax, jax.numpy as jnp
import numpy as np

N_NODES = 10000
N_EDGES = 320000
Q = 128
DT = 0.1
MIN_XI = 0.0
MAX_XI = 75.0


def setup_inputs(seed: int = 0) -> dict:
    key = jax.random.key(seed)
    k1, k2, k3, k4, k5 = jax.random.split(key, 5)
    f_distribution = jax.random.uniform(k1, (N_NODES, Q), dtype=jnp.float32)
    collision_term = jax.random.normal(k2, (N_NODES, Q), dtype=jnp.float32)
    source_term = jax.random.normal(k3, (N_NODES, Q), dtype=jnp.float32)
    edge_weight = jax.random.uniform(k4, (N_EDGES,), dtype=jnp.float32)
    edge_index = jax.random.randint(k5, (2, N_EDGES), 0, N_NODES, dtype=jnp.int64)
    return {
        'f_distribution': f_distribution,
        'collision_term': collision_term,
        'source_term': source_term,
        'edge_weight': edge_weight,
        'edge_index': edge_index,
    }


def reference(f_distribution, collision_term, source_term, edge_weight, edge_index):
    # BoltzmannUpdater.forward (kinetic update step)
    xi = jnp.linspace(MIN_XI, MAX_XI, Q, dtype=jnp.float32)  # xi_velocities buffer
    src = edge_index[0]
    dst = edge_index[1]
    n = f_distribution.shape[0]

    f = jnp.clip(f_distribution, 0.0, None)

    # out-degree of each node (on forward graph); equals in-degree of reverse graph
    out_deg = jnp.zeros((n,), dtype=jnp.float32).at[src].add(1.0)

    # per-edge message: q_ij * xi * (f[dst] - f[src]) * w
    f_diff = jnp.take(f, dst, axis=0) - jnp.take(f, src, axis=0)  # [E, Q]
    q_ij = (1.0 / jnp.take(out_deg, src, axis=0))[:, None]        # [E, 1]
    msg = q_ij * xi[None, :] * f_diff * edge_weight[:, None]      # [E, Q]

    # inflow: reduce messages to dst nodes (graph.update_all)
    inflow = jnp.zeros((n, Q), dtype=jnp.float32).at[dst].add(msg)
    # outflow: identical per-edge message reduced to src nodes (reverse graph)
    outflow = jnp.zeros((n, Q), dtype=jnp.float32).at[src].add(msg)

    transport_term = outflow - inflow
    f_new = f - DT * (transport_term - collision_term - source_term)
    f_new = jnp.clip(f_new, 0.0, None)
    return f_new

if __name__ == "__main__":
    import jax
    _d = setup_inputs()
    print(jax.jit(kernel)(*tuple(_d.values())))

</pallas_src>

<mosaic_0001>
#map = affine_map<(d0, d1) -> (0)>
module attributes {stable_mosaic.version = 14 : i64} {
  func.func @_sc_step(%arg0: i32, %arg1: i32, %arg2: memref<1280000xf32, #tpu.memory_space<hbm>>, %arg3: memref<1280000xf32, #tpu.memory_space<hbm>>, %arg4: memref<1280000xf32, #tpu.memory_space<hbm>>, %arg5: memref<320000xf32, #tpu.memory_space<hbm>>, %arg6: memref<320000xi32, #tpu.memory_space<hbm>>, %arg7: memref<320000xi32, #tpu.memory_space<hbm>>, %arg8: memref<1280000xf32, #tpu.memory_space<hbm>>, %arg9: memref<40000xf32, #tpu.memory_space<vmem>>, %arg10: memref<40000xf32, #tpu.memory_space<vmem>>, %arg11: memref<10016xf32, #tpu.memory_space<vmem>>, %arg12: memref<10016xf32, #tpu.memory_space<vmem>>, %arg13: memref<5120xi32, #tpu.memory_space<vmem>>, %arg14: memref<5120xi32, #tpu.memory_space<vmem>>, %arg15: memref<5120xf32, #tpu.memory_space<vmem>>, %arg16: memref<2000xf32, #tpu.memory_space<vmem>>, %arg17: memref<2000xf32, #tpu.memory_space<vmem>>, %arg18: memref<2000xf32, #tpu.memory_space<vmem>>, %arg19: memref<!tpu.dma_semaphore, #tpu.memory_space<semaphore_mem>>, %arg20: memref<!tpu.dma_semaphore, #tpu.memory_space<semaphore_mem>>, %arg21: memref<!tpu.dma_semaphore, #tpu.memory_space<semaphore_mem>>, %arg22: memref<!tpu.dma_semaphore, #tpu.memory_space<semaphore_mem>>, %arg23: memref<!tpu.dma_semaphore, #tpu.memory_space<semaphore_mem>>, %arg24: memref<!tpu.dma_semaphore, #tpu.memory_space<semaphore_mem>>) attributes {dimension_semantics = [#tpu.dimension_semantics<core_parallel>, #tpu.dimension_semantics<subcore_parallel>], iteration_bounds = array<i64: 2, 16>, scalar_prefetch = 0 : i64, scratch_operands = 16 : i64, tpu.core_type = #tpu.core_type<sc_vector_subcore>, window_params = [{transform_indices = #map}, {transform_indices = #map}, {transform_indices = #map}, {transform_indices = #map}, {transform_indices = #map}, {transform_indices = #map}, {transform_indices = #map}]} {
    %mul3A = arith.constant 2 : i32
    %mul3A_0 = arith.muli %arg1, %mul3A : i32
    %add3A = arith.addi %mul3A_0, %arg0 : i32
    %mul3A_1 = arith.constant 40000 : i32
    %mul3A_2 = arith.muli %add3A, %mul3A_1 : i32
    %broadcast_in_dim3A = arith.constant 0.000000e+00 : f32
    %broadcast_in_dim3A_3 = vector.broadcast %broadcast_in_dim3A : f32 to vector<16xf32>
    %broadcast_in_dim3A_4 = arith.constant 1.000000e+00 : f32
    %broadcast_in_dim3A_5 = vector.broadcast %broadcast_in_dim3A_4 : f32 to vector<16xf32>
    "tpu.region"() ({
      %run_scoped3A = tpu.sem_alloc : memref<!tpu.dma_semaphore, #tpu.memory_space<semaphore_mem>>
      %dma_start3A_96 = tpu.memref_slice %arg2[%mul3A_2] : memref<1280000xf32, #tpu.memory_space<hbm>> -> memref<40000xf32, #tpu.memory_space<hbm>>
      %dma_start3A_97 = tpu.memref_slice %arg2[%mul3A_2] : memref<1280000xf32, #tpu.memory_space<hbm>> -> memref<40000xf32, #tpu.memory_space<hbm>>
      tpu.enqueue_dma source(%dma_start3A_97 : memref<40000xf32, #tpu.memory_space<hbm>>) target(%arg9 : memref<40000xf32, #tpu.memory_space<vmem>>) target_semaphore(%run_scoped3A : memref<!tpu.dma_semaphore, #tpu.memory_space<semaphore_mem>>)
      %dma_wait3A = tpu.memref_slice %arg2[%mul3A_2] : memref<1280000xf32, #tpu.memory_space<hbm>> -> memref<40000xf32, #tpu.memory_space<hbm>>
      %dma_wait3A_98 = tpu.memref_slice %arg2[%mul3A_2] : memref<1280000xf32, #tpu.memory_space<hbm>> -> memref<40000xf32, #tpu.memory_space<hbm>>
      tpu.wait_dma2 semaphore(%run_scoped3A : memref<!tpu.dma_semaphore, #tpu.memory_space<semaphore_mem>>) src(%dma_wait3A_98 : memref<40000xf32, #tpu.memory_space<hbm>>) dst(%arg9 : memref<40000xf32, #tpu.memory_space<vmem>>)
      tpu.yield
    }) : () -> ()
    %scan3A = arith.constant 0 : i32
    %scan3A_6 = arith.constant 0 : i32
    %scan3A_7 = arith.constant 2500 : i32
    %scan3A_8 = arith.addi %scan3A_6, %scan3A_7 : i32
    %scan3A_9 = arith.constant 1 : i32
    scf.for %scan3A_96 = %scan3A_6 to %scan3A_8 step %scan3A_9  : i32 {
      %mul3A_97 = arith.constant 16 : i32
      %mul3A_98 = arith.muli %scan3A_96, %mul3A_97 : i32
      %get3A = arith.index_cast %mul3A_98 : i32 to index
      %get3A_99 = tpu.vector_load %arg9[%get3A] {strides = array<i32>} : memref<40000xf32, #tpu.memory_space<vmem>>, vector<16xf32>,
      %max3A = arith.constant 0.000000e+00 : f32
      %max3A_100 = vector.broadcast %max3A : f32 to vector<16xf32>
      %max3A_101 = arith.maximumf %get3A_99, %max3A_100 : vector<16xf32>
      %swap3A = arith.index_cast %mul3A_98 : i32 to index
      %swap3A_102 = tpu.vector_load %arg9[%swap3A] {strides = array<i32>} : memref<40000xf32, #tpu.memory_space<vmem>>, vector<16xf32>,
      tpu.vector_store %arg9[%swap3A], %max3A_101 {strides = array<i32>} : memref<40000xf32, #tpu.memory_space<vmem>>, vector<16xf32>,
      %swap3A_103 = arith.index_cast %mul3A_98 : i32 to index
      %swap3A_104 = tpu.vector_load %arg10[%swap3A_103] {strides = array<i32>} : memref<40000xf32, #tpu.memory_space<vmem>>, vector<16xf32>,
      tpu.vector_store %arg10[%swap3A_103], %broadcast_in_dim3A_3 {strides = array<i32>} : memref<40000xf32, #tpu.memory_space<vmem>>, vector<16xf32>,
    }
    %scan3A_10 = arith.constant 2500 : i32
    %scan3A_11 = arith.constant 0 : i32
    %scan3A_12 = arith.constant 0 : i32
    %scan3A_13 = arith.constant 626 : i32
    %scan3A_14 = arith.addi %scan3A_12, %scan3A_13 : i32
    %scan3A_15 = arith.constant 1 : i32
    scf.for %scan3A_96 = %scan3A_12 to %scan3A_14 step %scan3A_15  : i32 {
      %mul3A_97 = arith.constant 16 : i32
      %mul3A_98 = arith.muli %scan3A_96, %mul3A_97 : i32
      %swap3A = arith.index_cast %mul3A_98 : i32 to index
      %swap3A_99 = tpu.vector_load %arg11[%swap3A] {strides = array<i32>} : memref<10016xf32, #tpu.memory_space<vmem>>, vector<16xf32>,
      tpu.vector_store %arg11[%swap3A], %broadcast_in_dim3A_3 {strides = array<i32>} : memref<10016xf32, #tpu.memory_space<vmem>>, vector<16xf32>,
      %swap3A_100 = arith.index_cast %mul3A_98 : i32 to index
      %swap3A_101 = tpu.vector_load %arg12[%swap3A_100] {strides = array<i32>} : memref<10016xf32, #tpu.memory_space<vmem>>, vector<16xf32>,
      tpu.vector_store %arg12[%swap3A_100], %broadcast_in_dim3A_3 {strides = array<i32>} : memref<10016xf32, #tpu.memory_space<vmem>>, vector<16xf32>,
    }
    %scan3A_16 = arith.constant 626 : i32
    %dma_start3A = arith.constant 0 : i32
    %dma_start3A_17 = tpu.memref_slice %arg13[%dma_start3A] : memref<5120xi32, #tpu.memory_space<vmem>> -> memref<2560xi32, #tpu.memory_space<vmem>>
    %dma_start3A_18 = arith.constant 0 : i32
    %dma_start3A_19 = tpu.memref_slice %arg6[%dma_start3A_18] : memref<320000xi32, #tpu.memory_space<hbm>> -> memref<2560xi32, #tpu.memory_space<hbm>>
    %dma_start3A_20 = arith.constant 0 : i32
    %dma_start3A_21 = tpu.memref_slice %arg13[%dma_start3A_20] : memref<5120xi32, #tpu.memory_space<vmem>> -> memref<2560xi32, #tpu.memory_space<vmem>>
    %dma_start3A_22 = arith.constant 0 : i32
    %dma_start3A_23 = tpu.memref_slice %arg6[%dma_start3A_22] : memref<320000xi32, #tpu.memory_space<hbm>> -> memref<2560xi32, #tpu.memory_space<hbm>>
    tpu.enqueue_dma source(%dma_start3A_23 : memref<2560xi32, #tpu.memory_space<hbm>>) target(%dma_start3A_21 : memref<2560xi32, #tpu.memory_space<vmem>>) target_semaphore(%arg19 : memref<!tpu.dma_semaphore, #tpu.memory_space<semaphore_mem>>)
    %scan3A_24 = arith.constant 0 : i32
    %scan3A_25 = arith.constant 0 : i32
    %scan3A_26 = arith.constant 63 : i32
    %scan3A_27 = arith.addi %scan3A_25, %scan3A_26 : i32
    %scan3A_28 = arith.constant 1 : i32
    scf.for %scan3A_96 = %scan3A_25 to %scan3A_27 step %scan3A_28  : i32 {
      %mul3A_97 = arith.constant 2 : i32
      %mul3A_98 = arith.muli %scan3A_96, %mul3A_97 : i32
      %add3A_99 = arith.constant 1 : i32
      %add3A_100 = arith.addi %mul3A_98, %add3A_99 : i32
      %lt3A_101 = arith.constant 125 : i32
      %lt3A_102 = arith.cmpi slt, %add3A_100, %lt3A_101 : i32
      %convert_element_type3A_103 = arith.extui %lt3A_102 : i1 to i32
      %cond3A = arith.constant 0 : i32
      %cond3A_104 = arith.cmpi ne, %convert_element_type3A_103, %cond3A : i32
      scf.if %cond3A_104 {
        %add3A_132 = arith.constant 1 : i32
        %add3A_133 = arith.addi %mul3A_98, %add3A_132 : i32
        %mul3A_134 = arith.constant 2560 : i32
        %mul3A_135 = arith.muli %add3A_133, %mul3A_134 : i32
        %dma_start3A_136 = arith.constant 2560 : i32
        %dma_start3A_137 = tpu.memref_slice %arg13[%dma_start3A_136] : memref<5120xi32, #tpu.memory_space<vmem>> -> memref<2560xi32, #tpu.memory_space<vmem>>
        %dma_start3A_138 = tpu.memref_slice %arg6[%mul3A_135] : memref<320000xi32, #tpu.memory_space<hbm>> -> memref<2560xi32, #tpu.memory_space<hbm>>
        %dma_start3A_139 = arith.constant 2560 : i32
        %dma_start3A_140 = tpu.memref_slice %arg13[%dma_start3A_139] : memref<5120xi32, #tpu.memory_space<vmem>> -> memref<2560xi32, #tpu.memory_space<vmem>>
        %dma_start3A_141 = tpu.memref_slice %arg6[%mul3A_135] : memref<320000xi32, #tpu.memory_space<hbm>> -> memref<2560xi32, #tpu.memory_space<hbm>>
        tpu.enqueue_dma source(%dma_start3A_141 : memref<2560xi32, #tpu.memory_space<hbm>>) target(%dma_start3A_140 : memref<2560xi32, #tpu.memory_space<vmem>>) target_semaphore(%arg20 : memref<!tpu.dma_semaphore, #tpu.memory_space<semaphore_mem>>)
      } else {
      }
      %mul3A_105 = arith.constant 2560 : i32
      %mul3A_106 = arith.muli %mul3A_98, %mul3A_105 : i32
      %dma_wait3A = arith.constant 0 : i32
      %dma_wait3A_107 = tpu.memref_slice %arg13[%dma_wait3A] : memref<5120xi32, #tpu.memory_space<vmem>> -> memref<2560xi32, #tpu.memory_space<vmem>>
      %dma_wait3A_108 = tpu.memref_slice %arg6[%mul3A_106] : memref<320000xi32, #tpu.memory_space<hbm>> -> memref<2560xi32, #tpu.memory_space<hbm>>
      %dma_wait3A_109 = arith.constant 0 : i32
      %dma_wait3A_110 = tpu.memref_slice %arg13[%dma_wait3A_109] : memref<5120xi32, #tpu.memory_space<vmem>> -> memref<2560xi32, #tpu.memory_space<vmem>>
      %dma_wait3A_111 = tpu.memref_slice %arg6[%mul3A_106] : memref<320000xi32, #tpu.memory_space<hbm>> -> memref<2560xi32, #tpu.memory_space<hbm>>
      tpu.wait_dma2 semaphore(%arg19 : memref<!tpu.dma_semaphore, #tpu.memory_space<semaphore_mem>>) src(%dma_wait3A_111 : memref<2560xi32, #tpu.memory_space<hbm>>) dst(%dma_wait3A_110 : memref<2560xi32, #tpu.memory_space<vmem>>)
      %scan3A_112 = arith.constant 0 : i32
      %scan3A_113 = arith.constant 0 : i32
      %scan3A_114 = arith.constant 40 : i32
      %scan3A_115 = arith.addi %scan3A_113, %scan3A_114 : i32
      %scan3A_116 = arith.constant 1 : i32
      scf.for %scan3A_132 = %scan3A_113 to %scan3A_115 step %scan3A_116  : i32 {
        %mul3A_133 = arith.constant 64 : i32
        %mul3A_134 = arith.muli %scan3A_132, %mul3A_133 : i32
        %add3A_135 = arith.constant 0 : i32
        %add3A_136 = arith.addi %add3A_135, %mul3A_134 : i32
        %add3A_137 = arith.constant 0 : i32
        %add3A_138 = arith.addi %add3A_136, %add3A_137 : i32
        %get3A = arith.index_cast %add3A_138 : i32 to index
        %get3A_139 = tpu.vector_load %arg13[%get3A] {strides = array<i32>} : memref<5120xi32, #tpu.memory_space<vmem>>, vector<16xi32>,
        tpu.vector_store_idx %arg11[%get3A_139], %broadcast_in_dim3A_5 {add = true} : memref<10016xf32, #tpu.memory_space<vmem>>[vector<16xi32>], vector<16xf32>,
        %add3A_140 = arith.constant 16 : i32
        %add3A_141 = arith.addi %add3A_136, %add3A_140 : i32
        %get3A_142 = arith.index_cast %add3A_141 : i32 to index
        %get3A_143 = tpu.vector_load %arg13[%get3A_142] {strides = array<i32>} : memref<5120xi32, #tpu.memory_space<vmem>>, vector<16xi32>,
        tpu.vector_store_idx %arg11[%get3A_143], %broadcast_in_dim3A_5 {add = true} : memref<10016xf32, #tpu.memory_space<vmem>>[vector<16xi32>], vector<16xf32>,
        %add3A_144 = arith.constant 32 : i32
        %add3A_145 = arith.addi %add3A_136, %add3A_144 : i32
        %get3A_146 = arith.index_cast %add3A_145 : i32 to index
        %get3A_147 = tpu.vector_load %arg13[%get3A_146] {strides = array<i32>} : memref<5120xi32, #tpu.memory_space<vmem>>, vector<16xi32>,
        tpu.vector_store_idx %arg11[%get3A_147], %broadcast_in_dim3A_5 {add = true} : memref<10016xf32, #tpu.memory_space<vmem>>[vector<16xi32>], vector<16xf32>,
        %add3A_148 = arith.constant 48 : i32
        %add3A_149 = arith.addi %add3A_136, %add3A_148 : i32
        %get3A_150 = arith.index_cast %add3A_149 : i32 to index
        %get3A_151 = tpu.vector_load %arg13[%get3A_150] {strides = array<i32>} : memref<5120xi32, #tpu.memory_space<vmem>>, vector<16xi32>,
        tpu.vector_store_idx %arg11[%get3A_151], %broadcast_in_dim3A_5 {add = true} : memref<10016xf32, #tpu.memory_space<vmem>>[vector<16xi32>], vector<16xf32>,
      }
      %scan3A_117 = arith.constant 40 : i32
      %add3A_118 = arith.constant 2 : i32
      %add3A_119 = arith.addi %mul3A_98, %add3A_118 : i32
      %lt3A_120 = arith.constant 125 : i32
      %lt3A_121 = arith.cmpi slt, %add3A_119, %lt3A_120 : i32
      %convert_element_type3A_122 = arith.extui %lt3A_121 : i1 to i32
      %cond3A_123 = arith.constant 0 : i32
      %cond3A_124 = arith.cmpi ne, %convert_element_type3A_122, %cond3A_123 : i32
      scf.if %cond3A_124 {
        %add3A_132 = arith.constant 2 : i32
        %add3A_133 = arith.addi %mul3A_98, %add3A_132 : i32
        %mul3A_134 = arith.constant 2560 : i32
        %mul3A_135 = arith.muli %add3A_133, %mul3A_134 : i32
        %dma_start3A_136 = arith.constant 0 : i32
        %dma_start3A_137 = tpu.memref_slice %arg13[%dma_start3A_136] : memref<5120xi32, #tpu.memory_space<vmem>> -> memref<2560xi32, #tpu.memory_space<vmem>>
        %dma_start3A_138 = tpu.memref_slice %arg6[%mul3A_135] : memref<320000xi32, #tpu.memory_space<hbm>> -> memref<2560xi32, #tpu.memory_space<hbm>>
        %dma_start3A_139 = arith.constant 0 : i32
        %dma_start3A_140 = tpu.memref_slice %arg13[%dma_start3A_139] : memref<5120xi32, #tpu.memory_space<vmem>> -> memref<2560xi32, #tpu.memory_space<vmem>>
        %dma_start3A_141 = tpu.memref_slice %arg6[%mul3A_135] : memref<320000xi32, #tpu.memory_space<hbm>> -> memref<2560xi32, #tpu.memory_space<hbm>>
        tpu.enqueue_dma source(%dma_start3A_141 : memref<2560xi32, #tpu.memory_space<hbm>>) target(%dma_start3A_140 : memref<2560xi32, #tpu.memory_space<vmem>>) target_semaphore(%arg19 : memref<!tpu.dma_semaphore, #tpu.memory_space<semaphore_mem>>)
      } else {
      }
      %add3A_125 = arith.constant 1 : i32
      %add3A_126 = arith.addi %mul3A_98, %add3A_125 : i32
      %lt3A_127 = arith.constant 125 : i32
      %lt3A_128 = arith.cmpi slt, %add3A_126, %lt3A_127 : i32
      %convert_element_type3A_129 = arith.extui %lt3A_128 : i1 to i32
      %cond3A_130 = arith.constant 0 : i32
      %cond3A_131 = arith.cmpi ne, %convert_element_type3A_129, %cond3A_130 : i32
      scf.if %cond3A_131 {
        %add3A_132 = arith.constant 1 : i32
        %add3A_133 = arith.addi %mul3A_98, %add3A_132 : i32
        %mul3A_134 = arith.constant 2560 : i32
        %mul3A_135 = arith.muli %add3A_133, %mul3A_134 : i32
        %dma_wait3A_136 = arith.constant 2560 : i32
        %dma_wait3A_137 = tpu.memref_slice %arg13[%dma_wait3A_136] : memref<5120xi32, #tpu.memory_space<vmem>> -> memref<2560xi32, #tpu.memory_space<vmem>>
        %dma_wait3A_138 = tpu.memref_slice %arg6[%mul3A_135] : memref<320000xi32, #tpu.memory_space<hbm>> -> memref<2560xi32, #tpu.memory_space<hbm>>
        %dma_wait3A_139 = arith.constant 2560 : i32
        %dma_wait3A_140 = tpu.memref_slice %arg13[%dma_wait3A_139] : memref<5120xi32, #tpu.memory_space<vmem>> -> memref<2560xi32, #tpu.memory_space<vmem>>
        %dma_wait3A_141 = tpu.memref_slice %arg6[%mul3A_135] : memref<320000xi32, #tpu.memory_space<hbm>> -> memref<2560xi32, #tpu.memory_space<hbm>>
        tpu.wait_dma2 semaphore(%arg20 : memref<!tpu.dma_semaphore, #tpu.memory_space<semaphore_mem>>) src(%dma_wait3A_141 : memref<2560xi32, #tpu.memory_space<hbm>>) dst(%dma_wait3A_140 : memref<2560xi32, #tpu.memory_space<vmem>>)
        %scan3A_142 = arith.constant 0 : i32
        %scan3A_143 = arith.constant 0 : i32
        %scan3A_144 = arith.constant 40 : i32
        %scan3A_145 = arith.addi %scan3A_143, %scan3A_144 : i32
        %scan3A_146 = arith.constant 1 : i32
        scf.for %scan3A_148 = %scan3A_143 to %scan3A_145 step %scan3A_146  : i32 {
          %mul3A_149 = arith.constant 64 : i32
          %mul3A_150 = arith.muli %scan3A_148, %mul3A_149 : i32
          %add3A_151 = arith.constant 2560 : i32
          %add3A_152 = arith.addi %add3A_151, %mul3A_150 : i32
          %add3A_153 = arith.constant 0 : i32
          %add3A_154 = arith.addi %add3A_152, %add3A_153 : i32
          %get3A = arith.index_cast %add3A_154 : i32 to index
          %get3A_155 = tpu.vector_load %arg13[%get3A] {strides = array<i32>} : memref<5120xi32, #tpu.memory_space<vmem>>, vector<16xi32>,
          tpu.vector_store_idx %arg11[%get3A_155], %broadcast_in_dim3A_5 {add = true} : memref<10016xf32, #tpu.memory_space<vmem>>[vector<16xi32>], vector<16xf32>,
          %add3A_156 = arith.constant 16 : i32
          %add3A_157 = arith.addi %add3A_152, %add3A_156 : i32
          %get3A_158 = arith.index_cast %add3A_157 : i32 to index
          %get3A_159 = tpu.vector_load %arg13[%get3A_158] {strides = array<i32>} : memref<5120xi32, #tpu.memory_space<vmem>>, vector<16xi32>,
          tpu.vector_store_idx %arg11[%get3A_159], %broadcast_in_dim3A_5 {add = true} : memref<10016xf32, #tpu.memory_space<vmem>>[vector<16xi32>], vector<16xf32>,
          %add3A_160 = arith.constant 32 : i32
          %add3A_161 = arith.addi %add3A_152, %add3A_160 : i32
          %get3A_162 = arith.index_cast %add3A_161 : i32 to index
          %get3A_163 = tpu.vector_load %arg13[%get3A_162] {strides = array<i32>} : memref<5120xi32, #tpu.memory_space<vmem>>, vector<16xi32>,
          tpu.vector_store_idx %arg11[%get3A_163], %broadcast_in_dim3A_5 {add = true} : memref<10016xf32, #tpu.memory_space<vmem>>[vector<16xi32>], vector<16xf32>,
          %add3A_164 = arith.constant 48 : i32
          %add3A_165 = arith.addi %add3A_152, %add3A_164 : i32
          %get3A_166 = arith.index_cast %add3A_165 : i32 to index
          %get3A_167 = tpu.vector_load %arg13[%get3A_166] {strides = array<i32>} : memref<5120xi32, #tpu.memory_space<vmem>>, vector<16xi32>,
          tpu.vector_store_idx %arg11[%get3A_167], %broadcast_in_dim3A_5 {add = true} : memref<10016xf32, #tpu.memory_space<vmem>>[vector<16xi32>], vector<16xf32>,
        }
        %scan3A_147 = arith.constant 40 : i32
      } else {
      }
    }
    %scan3A_29 = arith.constant 63 : i32
    %scan3A_30 = arith.constant 0 : i32
    %scan3A_31 = arith.constant 0 : i32
    %scan3A_32 = arith.constant 625 : i32
    %scan3A_33 = arith.addi %scan3A_31, %scan3A_32 : i32
    %scan3A_34 = arith.constant 1 : i32
    scf.for %scan3A_96 = %scan3A_31 to %scan3A_33 step %scan3A_34  : i32 {
      %mul3A_97 = arith.constant 16 : i32
      %mul3A_98 = arith.muli %scan3A_96, %mul3A_97 : i32
      %get3A = arith.index_cast %mul3A_98 : i32 to index
      %get3A_99 = tpu.vector_load %arg11[%get3A] {strides = array<i32>} : memref<10016xf32, #tpu.memory_space<vmem>>, vector<16xf32>,
      %div3A = arith.constant 1.000000e+00 : f32
      %div3A_100 = vector.broadcast %div3A : f32 to vector<16xf32>
      %div3A_101 = arith.divf %div3A_100, %get3A_99 : vector<16xf32>
      %swap3A = arith.index_cast %mul3A_98 : i32 to index
      %swap3A_102 = tpu.vector_load %arg11[%swap3A] {strides = array<i32>} : memref<10016xf32, #tpu.memory_space<vmem>>, vector<16xf32>,
      tpu.vector_store %arg11[%swap3A], %div3A_101 {strides = array<i32>} : memref<10016xf32, #tpu.memory_space<vmem>>, vector<16xf32>,
    }
    %scan3A_35 = arith.constant 625 : i32
    %dma_start3A_36 = arith.constant 0 : i32
    %dma_start3A_37 = tpu.memref_slice %arg13[%dma_start3A_36] : memref<5120xi32, #tpu.memory_space<vmem>> -> memref<2560xi32, #tpu.memory_space<vmem>>
    %dma_start3A_38 = arith.constant 0 : i32
    %dma_start3A_39 = tpu.memref_slice %arg6[%dma_start3A_38] : memref<320000xi32, #tpu.memory_space<hbm>> -> memref<2560xi32, #tpu.memory_space<hbm>>
    %dma_start3A_40 = arith.constant 0 : i32
    %dma_start3A_41 = tpu.memref_slice %arg13[%dma_start3A_40] : memref<5120xi32, #tpu.memory_space<vmem>> -> memref<2560xi32, #tpu.memory_space<vmem>>
    %dma_start3A_42 = arith.constant 0 : i32
    %dma_start3A_43 = tpu.memref_slice %arg6[%dma_start3A_42] : memref<320000xi32, #tpu.memory_space<hbm>> -> memref<2560xi32, #tpu.memory_space<hbm>>
    tpu.enqueue_dma source(%dma_start3A_43 : memref<2560xi32, #tpu.memory_space<hbm>>) target(%dma_start3A_41 : memref<2560xi32, #tpu.memory_space<vmem>>) target_semaphore(%arg19 : memref<!tpu.dma_semaphore, #tpu.memory_space<semaphore_mem>>)
    %dma_start3A_44 = arith.constant 0 : i32
    %dma_start3A_45 = tpu.memref_slice %arg14[%dma_start3A_44] : memref<5120xi32, #tpu.memory_space<vmem>> -> memref<2560xi32, #tpu.memory_space<vmem>>
    %dma_start3A_46 = arith.constant 0 : i32
    %dma_start3A_47 = tpu.memref_slice %arg7[%dma_start3A_46] : memref<320000xi32, #tpu.memory_space<hbm>> -> memref<2560xi32, #tpu.memory_space<hbm>>
    %dma_start3A_48 = arith.constant 0 : i32
    %dma_start3A_49 = tpu.memref_slice %arg14[%dma_start3A_48] : memref<5120xi32, #tpu.memory_space<vmem>> -> memref<2560xi32, #tpu.memory_space<vmem>>
    %dma_start3A_50 = arith.constant 0 : i32
    %dma_start3A_51 = tpu.memref_slice %arg7[%dma_start3A_50] : memref<320000xi32, #tpu.memory_space<hbm>> -> memref<2560xi32, #tpu.memory_space<hbm>>
    tpu.enqueue_dma source(%dma_start3A_51 : memref<2560xi32, #tpu.memory_space<hbm>>) target(%dma_start3A_49 : memref<2560xi32, #tpu.memory_space<vmem>>) target_semaphore(%arg21 : memref<!tpu.dma_semaphore, #tpu.memory_space<semaphore_mem>>)
    %dma_start3A_52 = arith.constant 0 : i32
    %dma_start3A_53 = tpu.memref_slice %arg15[%dma_start3A_52] : memref<5120xf32, #tpu.memory_space<vmem>> -> memref<2560xf32, #tpu.memory_space<vmem>>
    %dma_start3A_54 = arith.constant 0 : i32
    %dma_start3A_55 = tpu.memref_slice %arg5[%dma_start3A_54] : memref<320000xf32, #tpu.memory_space<hbm>> -> memref<2560xf32, #tpu.memory_space<hbm>>
    %dma_start3A_56 = arith.constant 0 : i32
    %dma_start3A_57 = tpu.memref_slice %arg15[%dma_start3A_56] : memref<5120xf32, #tpu.memory_space<vmem>> -> memref<2560xf32, #tpu.memory_space<vmem>>
    %dma_start3A_58 = arith.constant 0 : i32
    %dma_start3A_59 = tpu.memref_slice %arg5[%dma_start3A_58] : memref<320000xf32, #tpu.memory_space<hbm>> -> memref<2560xf32, #tpu.memory_space<hbm>>
    tpu.enqueue_dma source(%dma_start3A_59 : memref<2560xf32, #tpu.memory_space<hbm>>) target(%dma_start3A_57 : memref<2560xf32, #tpu.memory_space<vmem>>) target_semaphore(%arg23 : memref<!tpu.dma_semaphore, #tpu.memory_space<semaphore_mem>>)
    %scan3A_60 = arith.constant 0 : i32
    %scan3A_61 = arith.constant 0 : i32
    %scan3A_62 = arith.constant 63 : i32
    %scan3A_63 = arith.addi %scan3A_61, %scan3A_62 : i32
    %scan3A_64 = arith.constant 1 : i32
    scf.for %scan3A_96 = %scan3A_61 to %scan3A_63 step %scan3A_64  : i32 {
      %mul3A_97 = arith.constant 2 : i32
      %mul3A_98 = arith.muli %scan3A_96, %mul3A_97 : i32
      %add3A_99 = arith.constant 1 : i32
      %add3A_100 = arith.addi %mul3A_98, %add3A_99 : i32
      %lt3A_101 = arith.constant 125 : i32
      %lt3A_102 = arith.cmpi slt, %add3A_100, %lt3A_101 : i32
      %convert_element_type3A_103 = arith.extui %lt3A_102 : i1 to i32
      %cond3A = arith.constant 0 : i32
      %cond3A_104 = arith.cmpi ne, %convert_element_type3A_103, %cond3A : i32
      scf.if %cond3A_104 {
        %add3A_144 = arith.constant 1 : i32
        %add3A_145 = arith.addi %mul3A_98, %add3A_144 : i32
        %mul3A_146 = arith.constant 2560 : i32
        %mul3A_147 = arith.muli %add3A_145, %mul3A_146 : i32
        %dma_start3A_148 = arith.constant 2560 : i32
        %dma_start3A_149 = tpu.memref_slice %arg13[%dma_start3A_148] : memref<5120xi32, #tpu.memory_space<vmem>> -> memref<2560xi32, #tpu.memory_space<vmem>>
        %dma_start3A_150 = tpu.memref_slice %arg6[%mul3A_147] : memref<320000xi32, #tpu.memory_space<hbm>> -> memref<2560xi32, #tpu.memory_space<hbm>>
        %dma_start3A_151 = arith.constant 2560 : i32
        %dma_start3A_152 = tpu.memref_slice %arg13[%dma_start3A_151] : memref<5120xi32, #tpu.memory_space<vmem>> -> memref<2560xi32, #tpu.memory_space<vmem>>
        %dma_start3A_153 = tpu.memref_slice %arg6[%mul3A_147] : memref<320000xi32, #tpu.memory_space<hbm>> -> memref<2560xi32, #tpu.memory_space<hbm>>
        tpu.enqueue_dma source(%dma_start3A_153 : memref<2560xi32, #tpu.memory_space<hbm>>) target(%dma_start3A_152 : memref<2560xi32, #tpu.memory_space<vmem>>) target_semaphore(%arg20 : memref<!tpu.dma_semaphore, #tpu.memory_space<semaphore_mem>>)
        %dma_start3A_154 = arith.constant 2560 : i32
        %dma_start3A_155 = tpu.memref_slice %arg14[%dma_start3A_154] : memref<5120xi32, #tpu.memory_space<vmem>> -> memref<2560xi32, #tpu.memory_space<vmem>>
        %dma_start3A_156 = tpu.memref_slice %arg7[%mul3A_147] : memref<320000xi32, #tpu.memory_space<hbm>> -> memref<2560xi32, #tpu.memory_space<hbm>>
        %dma_start3A_157 = arith.constant 2560 : i32
        %dma_start3A_158 = tpu.memref_slice %arg14[%dma_start3A_157] : memref<5120xi32, #tpu.memory_space<vmem>> -> memref<2560xi32, #tpu.memory_space<vmem>>
        %dma_start3A_159 = tpu.memref_slice %arg7[%mul3A_147] : memref<320000xi32, #tpu.memory_space<hbm>> -> memref<2560xi32, #tpu.memory_space<hbm>>
        tpu.enqueue_dma source(%dma_start3A_159 : memref<2560xi32, #tpu.memory_space<hbm>>) target(%dma_start3A_158 : memref<2560xi32, #tpu.memory_space<vmem>>) target_semaphore(%arg22 : memref<!tpu.dma_semaphore, #tpu.memory_space<semaphore_mem>>)
        %dma_start3A_160 = arith.constant 2560 : i32
        %dma_start3A_161 = tpu.memref_slice %arg15[%dma_start3A_160] : memref<5120xf32, #tpu.memory_space<vmem>> -> memref<2560xf32, #tpu.memory_space<vmem>>
        %dma_start3A_162 = tpu.memref_slice %arg5[%mul3A_147] : memref<320000xf32, #tpu.memory_space<hbm>> -> memref<2560xf32, #tpu.memory_space<hbm>>
        %dma_start3A_163 = arith.constant 2560 : i32
        %dma_start3A_164 = tpu.memref_slice %arg15[%dma_start3A_163] : memref<5120xf32, #tpu.memory_space<vmem>> -> memref<2560xf32, #tpu.memory_space<vmem>>
        %dma_start3A_165 = tpu.memref_slice %arg5[%mul3A_147] : memref<320000xf32, #tpu.memory_space<hbm>> -> memref<2560xf32, #tpu.memory_space<hbm>>
        tpu.enqueue_dma source(%dma_start3A_165 : memref<2560xf32, #tpu.memory_space<hbm>>) target(%dma_start3A_164 : memref<2560xf32, #tpu.memory_space<vmem>>) target_semaphore(%arg24 : memref<!tpu.dma_semaphore, #tpu.memory_space<semaphore_mem>>)
      } else {
      }
      %mul3A_105 = arith.constant 2560 : i32
      %mul3A_106 = arith.muli %mul3A_98, %mul3A_105 : i32
      %dma_wait3A = arith.constant 0 : i32
      %dma_wait3A_107 = tpu.memref_slice %arg13[%dma_wait3A] : memref<5120xi32, #tpu.memory_space<vmem>> -> memref<2560xi32, #tpu.memory_space<vmem>>
      %dma_wait3A_108 = tpu.memref_slice %arg6[%mul3A_106] : memref<320000xi32, #tpu.memory_space<hbm>> -> memref<2560xi32, #tpu.memory_space<hbm>>
      %dma_wait3A_109 = arith.constant 0 : i32
      %dma_wait3A_110 = tpu.memref_slice %arg13[%dma_wait3A_109] : memref<5120xi32, #tpu.memory_space<vmem>> -> memref<2560xi32, #tpu.memory_space<vmem>>
      %dma_wait3A_111 = tpu.memref_slice %arg6[%mul3A_106] : memref<320000xi32, #tpu.memory_space<hbm>> -> memref<2560xi32, #tpu.memory_space<hbm>>
      tpu.wait_dma2 semaphore(%arg19 : memref<!tpu.dma_semaphore, #tpu.memory_space<semaphore_mem>>) src(%dma_wait3A_111 : memref<2560xi32, #tpu.memory_space<hbm>>) dst(%dma_wait3A_110 : memref<2560xi32, #tpu.memory_space<vmem>>)
      %dma_wait3A_112 = arith.constant 0 : i32
      %dma_wait3A_113 = tpu.memref_slice %arg14[%dma_wait3A_112] : memref<5120xi32, #tpu.memory_space<vmem>> -> memref<2560xi32, #tpu.memory_space<vmem>>
      %dma_wait3A_114 = tpu.memref_slice %arg7[%mul3A_106] : memref<320000xi32, #tpu.memory_space<hbm>> -> memref<2560xi32, #tpu.memory_space<hbm>>
      %dma_wait3A_115 = arith.constant 0 : i32
      %dma_wait3A_116 = tpu.memref_slice %arg14[%dma_wait3A_115] : memref<5120xi32, #tpu.memory_space<vmem>> -> memref<2560xi32, #tpu.memory_space<vmem>>
      %dma_wait3A_117 = tpu.memref_slice %arg7[%mul3A_106] : memref<320000xi32, #tpu.memory_space<hbm>> -> memref<2560xi32, #tpu.memory_space<hbm>>
      tpu.wait_dma2 semaphore(%arg21 : memref<!tpu.dma_semaphore, #tpu.memory_space<semaphore_mem>>) src(%dma_wait3A_117 : memref<2560xi32, #tpu.memory_space<hbm>>) dst(%dma_wait3A_116 : memref<2560xi32, #tpu.memory_space<vmem>>)
      %dma_wait3A_118 = arith.constant 0 : i32
      %dma_wait3A_119 = tpu.memref_slice %arg15[%dma_wait3A_118] : memref<5120xf32, #tpu.memory_space<vmem>> -> memref<2560xf32, #tpu.memory_space<vmem>>
      %dma_wait3A_120 = tpu.memref_slice %arg5[%mul3A_106] : memref<320000xf32, #tpu.memory_space<hbm>> -> memref<2560xf32, #tpu.memory_space<hbm>>
      %dma_wait3A_121 = arith.constant 0 : i32
      %dma_wait3A_122 = tpu.memref_slice %arg15[%dma_wait3A_121] : memref<5120xf32, #tpu.memory_space<vmem>> -> memref<2560xf32, #tpu.memory_space<vmem>>
      %dma_wait3A_123 = tpu.memref_slice %arg5[%mul3A_106] : memref<320000xf32, #tpu.memory_space<hbm>> -> memref<2560xf32, #tpu.memory_space<hbm>>
      tpu.wait_dma2 semaphore(%arg23 : memref<!tpu.dma_semaphore, #tpu.memory_space<semaphore_mem>>) src(%dma_wait3A_123 : memref<2560xf32, #tpu.memory_space<hbm>>) dst(%dma_wait3A_122 : memref<2560xf32, #tpu.memory_space<vmem>>)
      %scan3A_124 = arith.constant 0 : i32
      %scan3A_125 = arith.constant 0 : i32
      %scan3A_126 = arith.constant 80 : i32
      %scan3A_127 = arith.addi %scan3A_125, %scan3A_126 : i32
      %scan3A_128 = arith.constant 1 : i32
      scf.for %scan3A_144 = %scan3A_125 to %scan3A_127 step %scan3A_128  : i32 {
        %mul3A_145 = arith.constant 32 : i32
        %mul3A_146 = arith.muli %scan3A_144, %mul3A_145 : i32
        %add3A_147 = arith.constant 0 : i32
        %add3A_148 = arith.addi %add3A_147, %mul3A_146 : i32
        %add3A_149 = arith.constant 0 : i32
        %add3A_150 = arith.addi %add3A_148, %add3A_149 : i32
        %get3A = arith.index_cast %add3A_150 : i32 to index
        %get3A_151 = tpu.vector_load %arg13[%get3A] {strides = array<i32>} : memref<5120xi32, #tpu.memory_space<vmem>>, vector<16xi32>,
        %get3A_152 = arith.index_cast %add3A_150 : i32 to index
        %get3A_153 = tpu.vector_load %arg14[%get3A_152] {strides = array<i32>} : memref<5120xi32, #tpu.memory_space<vmem>>, vector<16xi32>,
        %get3A_154 = arith.index_cast %add3A_150 : i32 to index
        %get3A_155 = tpu.vector_load %arg15[%get3A_154] {strides = array<i32>} : memref<5120xf32, #tpu.memory_space<vmem>>, vector<16xf32>,
        %gather3A = tpu.vector_load_idx %arg11[%get3A_151] : memref<10016xf32, #tpu.memory_space<vmem>>[vector<16xi32>], vector<16xf32>,
        %mul3A_156 = arith.mulf %get3A_155, %gather3A : vector<16xf32>
        %mul3A_157 = arith.constant 4 : i32
        %mul3A_158 = vector.broadcast %mul3A_157 : i32 to vector<16xi32>
        %mul3A_159 = arith.muli %get3A_151, %mul3A_158 : vector<16xi32>
        %mul3A_160 = arith.constant 4 : i32
        %mul3A_161 = vector.broadcast %mul3A_160 : i32 to vector<16xi32>
        %mul3A_162 = arith.muli %get3A_153, %mul3A_161 : vector<16xi32>
        %add3A_163 = arith.constant 0 : i32
        %add3A_164 = vector.broadcast %add3A_163 : i32 to vector<16xi32>
        %add3A_165 = arith.addi %mul3A_162, %add3A_164 : vector<16xi32>
        %gather3A_166 = tpu.vector_load_idx %arg9[%add3A_165] : memref<40000xf32, #tpu.memory_space<vmem>>[vector<16xi32>], vector<16xf32>,
        %add3A_167 = arith.constant 1 : i32
        %add3A_168 = vector.broadcast %add3A_167 : i32 to vector<16xi32>
        %add3A_169 = arith.addi %mul3A_162, %add3A_168 : vector<16xi32>
        %gather3A_170 = tpu.vector_load_idx %arg9[%add3A_169] : memref<40000xf32, #tpu.memory_space<vmem>>[vector<16xi32>], vector<16xf32>,
        %add3A_171 = arith.constant 2 : i32
        %add3A_172 = vector.broadcast %add3A_171 : i32 to vector<16xi32>
        %add3A_173 = arith.addi %mul3A_162, %add3A_172 : vector<16xi32>
        %gather3A_174 = tpu.vector_load_idx %arg9[%add3A_173] : memref<40000xf32, #tpu.memory_space<vmem>>[vector<16xi32>], vector<16xf32>,
        %add3A_175 = arith.constant 3 : i32
        %add3A_176 = vector.broadcast %add3A_175 : i32 to vector<16xi32>
        %add3A_177 = arith.addi %mul3A_162, %add3A_176 : vector<16xi32>
        %gather3A_178 = tpu.vector_load_idx %arg9[%add3A_177] : memref<40000xf32, #tpu.memory_space<vmem>>[vector<16xi32>], vector<16xf32>,
        %add3A_179 = arith.constant 0 : i32
        %add3A_180 = vector.broadcast %add3A_179 : i32 to vector<16xi32>
        %add3A_181 = arith.addi %mul3A_159, %add3A_180 : vector<16xi32>
        %gather3A_182 = tpu.vector_load_idx %arg9[%add3A_181] : memref<40000xf32, #tpu.memory_space<vmem>>[vector<16xi32>], vector<16xf32>,
        %add3A_183 = arith.constant 1 : i32
        %add3A_184 = vector.broadcast %add3A_183 : i32 to vector<16xi32>
        %add3A_185 = arith.addi %mul3A_159, %add3A_184 : vector<16xi32>
        %gather3A_186 = tpu.vector_load_idx %arg9[%add3A_185] : memref<40000xf32, #tpu.memory_space<vmem>>[vector<16xi32>], vector<16xf32>,
        %add3A_187 = arith.constant 2 : i32
        %add3A_188 = vector.broadcast %add3A_187 : i32 to vector<16xi32>
        %add3A_189 = arith.addi %mul3A_159, %add3A_188 : vector<16xi32>
        %gather3A_190 = tpu.vector_load_idx %arg9[%add3A_189] : memref<40000xf32, #tpu.memory_space<vmem>>[vector<16xi32>], vector<16xf32>,
        %add3A_191 = arith.constant 3 : i32
        %add3A_192 = vector.broadcast %add3A_191 : i32 to vector<16xi32>
        %add3A_193 = arith.addi %mul3A_159, %add3A_192 : vector<16xi32>
        %gather3A_194 = tpu.vector_load_idx %arg9[%add3A_193] : memref<40000xf32, #tpu.memory_space<vmem>>[vector<16xi32>], vector<16xf32>,
        %add3A_195 = arith.constant 16 : i32
        %add3A_196 = arith.addi %add3A_148, %add3A_195 : i32
        %get3A_197 = arith.index_cast %add3A_196 : i32 to index
        %get3A_198 = tpu.vector_load %arg13[%get3A_197] {strides = array<i32>} : memref<5120xi32, #tpu.memory_space<vmem>>, vector<16xi32>,
        %get3A_199 = arith.index_cast %add3A_196 : i32 to index
        %get3A_200 = tpu.vector_load %arg14[%get3A_199] {strides = array<i32>} : memref<5120xi32, #tpu.memory_space<vmem>>, vector<16xi32>,
        %get3A_201 = arith.index_cast %add3A_196 : i32 to index
        %get3A_202 = tpu.vector_load %arg15[%get3A_201] {strides = array<i32>} : memref<5120xf32, #tpu.memory_space<vmem>>, vector<16xf32>,
        %gather3A_203 = tpu.vector_load_idx %arg11[%get3A_198] : memref<10016xf32, #tpu.memory_space<vmem>>[vector<16xi32>], vector<16xf32>,
        %mul3A_204 = arith.mulf %get3A_202, %gather3A_203 : vector<16xf32>
        %mul3A_205 = arith.constant 4 : i32
        %mul3A_206 = vector.broadcast %mul3A_205 : i32 to vector<16xi32>
        %mul3A_207 = arith.muli %get3A_198, %mul3A_206 : vector<16xi32>
        %mul3A_208 = arith.constant 4 : i32
        %mul3A_209 = vector.broadcast %mul3A_208 : i32 to vector<16xi32>
        %mul3A_210 = arith.muli %get3A_200, %mul3A_209 : vector<16xi32>
        %add3A_211 = arith.constant 0 : i32
        %add3A_212 = vector.broadcast %add3A_211 : i32 to vector<16xi32>
        %add3A_213 = arith.addi %mul3A_210, %add3A_212 : vector<16xi32>
        %gather3A_214 = tpu.vector_load_idx %arg9[%add3A_213] : memref<40000xf32, #tpu.memory_space<vmem>>[vector<16xi32>], vector<16xf32>,
        %add3A_215 = arith.constant 1 : i32
        %add3A_216 = vector.broadcast %add3A_215 : i32 to vector<16xi32>
        %add3A_217 = arith.addi %mul3A_210, %add3A_216 : vector<16xi32>
        %gather3A_218 = tpu.vector_load_idx %arg9[%add3A_217] : memref<40000xf32, #tpu.memory_space<vmem>>[vector<16xi32>], vector<16xf32>,
        %add3A_219 = arith.constant 2 : i32
        %add3A_220 = vector.broadcast %add3A_219 : i32 to vector<16xi32>
        %add3A_221 = arith.addi %mul3A_210, %add3A_220 : vector<16xi32>
        %gather3A_222 = tpu.vector_load_idx %arg9[%add3A_221] : memref<40000xf32, #tpu.memory_space<vmem>>[vector<16xi32>], vector<16xf32>,
        %add3A_223 = arith.constant 3 : i32
        %add3A_224 = vector.broadcast %add3A_223 : i32 to vector<16xi32>
        %add3A_225 = arith.addi %mul3A_210, %add3A_224 : vector<16xi32>
        %gather3A_226 = tpu.vector_load_idx %arg9[%add3A_225] : memref<40000xf32, #tpu.memory_space<vmem>>[vector<16xi32>], vector<16xf32>,
        %add3A_227 = arith.constant 0 : i32
        %add3A_228 = vector.broadcast %add3A_227 : i32 to vector<16xi32>
        %add3A_229 = arith.addi %mul3A_207, %add3A_228 : vector<16xi32>
        %gather3A_230 = tpu.vector_load_idx %arg9[%add3A_229] : memref<40000xf32, #tpu.memory_space<vmem>>[vector<16xi32>], vector<16xf32>,
        %add3A_231 = arith.constant 1 : i32
        %add3A_232 = vector.broadcast %add3A_231 : i32 to vector<16xi32>
        %add3A_233 = arith.addi %mul3A_207, %add3A_232 : vector<16xi32>
        %gather3A_234 = tpu.vector_load_idx %arg9[%add3A_233] : memref<40000xf32, #tpu.memory_space<vmem>>[vector<16xi32>], vector<16xf32>,
        %add3A_235 = arith.constant 2 : i32
        %add3A_236 = vector.broadcast %add3A_235 : i32 to vector<16xi32>
        %add3A_237 = arith.addi %mul3A_207, %add3A_236 : vector<16xi32>
        %gather3A_238 = tpu.vector_load_idx %arg9[%add3A_237] : memref<40000xf32, #tpu.memory_space<vmem>>[vector<16xi32>], vector<16xf32>,
        %add3A_239 = arith.constant 3 : i32
        %add3A_240 = vector.broadcast %add3A_239 : i32 to vector<16xi32>
        %add3A_241 = arith.addi %mul3A_207, %add3A_240 : vector<16xi32>
        %gather3A_242 = tpu.vector_load_idx %arg9[%add3A_241] : memref<40000xf32, #tpu.memory_space<vmem>>[vector<16xi32>], vector<16xf32>,
        tpu.vector_store_idx %arg12[%get3A_151], %mul3A_156 {add = true} : memref<10016xf32, #tpu.memory_space<vmem>>[vector<16xi32>], vector<16xf32>,
        tpu.vector_store_idx %arg12[%get3A_153], %mul3A_156 {add = true} : memref<10016xf32, #tpu.memory_space<vmem>>[vector<16xi32>], vector<16xf32>,
        %add3A_243 = arith.constant 0 : i32
        %add3A_244 = vector.broadcast %add3A_243 : i32 to vector<16xi32>
        %add3A_245 = arith.addi %mul3A_159, %add3A_244 : vector<16xi32>
        %mul3A_246 = arith.mulf %mul3A_156, %gather3A_166 : vector<16xf32>
        tpu.vector_store_idx %arg10[%add3A_245], %mul3A_246 {add = true} : memref<40000xf32, #tpu.memory_space<vmem>>[vector<16xi32>], vector<16xf32>,
        %add3A_247 = arith.constant 0 : i32
        %add3A_248 = vector.broadcast %add3A_247 : i32 to vector<16xi32>
        %add3A_249 = arith.addi %mul3A_162, %add3A_248 : vector<16xi32>
        %mul3A_250 = arith.mulf %mul3A_156, %gather3A_182 : vector<16xf32>
        tpu.vector_store_idx %arg10[%add3A_249], %mul3A_250 {add = true} : memref<40000xf32, #tpu.memory_space<vmem>>[vector<16xi32>], vector<16xf32>,
        %add3A_251 = arith.constant 1 : i32
        %add3A_252 = vector.broadcast %add3A_251 : i32 to vector<16xi32>
        %add3A_253 = arith.addi %mul3A_159, %add3A_252 : vector<16xi32>
        %mul3A_254 = arith.mulf %mul3A_156, %gather3A_170 : vector<16xf32>
        tpu.vector_store_idx %arg10[%add3A_253], %mul3A_254 {add = true} : memref<40000xf32, #tpu.memory_space<vmem>>[vector<16xi32>], vector<16xf32>,
        %add3A_255 = arith.constant 1 : i32
        %add3A_256 = vector.broadcast %add3A_255 : i32 to vector<16xi32>
        %add3A_257 = arith.addi %mul3A_162, %add3A_256 : vector<16xi32>
        %mul3A_258 = arith.mulf %mul3A_156, %gather3A_186 : vector<16xf32>
        tpu.vector_store_idx %arg10[%add3A_257], %mul3A_258 {add = true} : memref<40000xf32, #tpu.memory_space<vmem>>[vector<16xi32>], vector<16xf32>,
        %add3A_259 = arith.constant 2 : i32
        %add3A_260 = vector.broadcast %add3A_259 : i32 to vector<16xi32>
        %add3A_261 = arith.addi %mul3A_159, %add3A_260 : vector<16xi32>
        %mul3A_262 = arith.mulf %mul3A_156, %gather3A_174 : vector<16xf32>
        tpu.vector_store_idx %arg10[%add3A_261], %mul3A_262 {add = true} : memref<40000xf32, #tpu.memory_space<vmem>>[vector<16xi32>], vector<16xf32>,
        %add3A_263 = arith.constant 2 : i32
        %add3A_264 = vector.broadcast %add3A_263 : i32 to vector<16xi32>
        %add3A_265 = arith.addi %mul3A_162, %add3A_264 : vector<16xi32>
        %mul3A_266 = arith.mulf %mul3A_156, %gather3A_190 : vector<16xf32>
        tpu.vector_store_idx %arg10[%add3A_265], %mul3A_266 {add = true} : memref<40000xf32, #tpu.memory_space<vmem>>[vector<16xi32>], vector<16xf32>,
        %add3A_267 = arith.constant 3 : i32
        %add3A_268 = vector.broadcast %add3A_267 : i32 to vector<16xi32>
        %add3A_269 = arith.addi %mul3A_159, %add3A_268 : vector<16xi32>
        %mul3A_270 = arith.mulf %mul3A_156, %gather3A_178 : vector<16xf32>
        tpu.vector_store_idx %arg10[%add3A_269], %mul3A_270 {add = true} : memref<40000xf32, #tpu.memory_space<vmem>>[vector<16xi32>], vector<16xf32>,
        %add3A_271 = arith.constant 3 : i32
        %add3A_272 = vector.broadcast %add3A_271 : i32 to vector<16xi32>
        %add3A_273 = arith.addi %mul3A_162, %add3A_272 : vector<16xi32>
        %mul3A_274 = arith.mulf %mul3A_156, %gather3A_194 : vector<16xf32>
        tpu.vector_store_idx %arg10[%add3A_273], %mul3A_274 {add = true} : memref<40000xf32, #tpu.memory_space<vmem>>[vector<16xi32>], vector<16xf32>,
        tpu.vector_store_idx %arg12[%get3A_198], %mul3A_204 {add = true} : memref<10016xf32, #tpu.memory_space<vmem>>[vector<16xi32>], vector<16xf32>,
        tpu.vector_store_idx %arg12[%get3A_200], %mul3A_204 {add = true} : memref<10016xf32, #tpu.memory_space<vmem>>[vector<16xi32>], vector<16xf32>,
        %add3A_275 = arith.constant 0 : i32
        %add3A_276 = vector.broadcast %add3A_275 : i32 to vector<16xi32>
        %add3A_277 = arith.addi %mul3A_207, %add3A_276 : vector<16xi32>
        %mul3A_278 = arith.mulf %mul3A_204, %gather3A_214 : vector<16xf32>
        tpu.vector_store_idx %arg10[%add3A_277], %mul3A_278 {add = true} : memref<40000xf32, #tpu.memory_space<vmem>>[vector<16xi32>], vector<16xf32>,
        %add3A_279 = arith.constant 0 : i32
        %add3A_280 = vector.broadcast %add3A_279 : i32 to vector<16xi32>
        %add3A_281 = arith.addi %mul3A_210, %add3A_280 : vector<16xi32>
        %mul3A_282 = arith.mulf %mul3A_204, %gather3A_230 : vector<16xf32>
        tpu.vector_store_idx %arg10[%add3A_281], %mul3A_282 {add = true} : memref<40000xf32, #tpu.memory_space<vmem>>[vector<16xi32>], vector<16xf32>,
        %add3A_283 = arith.constant 1 : i32
        %add3A_284 = vector.broadcast %add3A_283 : i32 to vector<16xi32>
        %add3A_285 = arith.addi %mul3A_207, %add3A_284 : vector<16xi32>
        %mul3A_286 = arith.mulf %mul3A_204, %gather3A_218 : vector<16xf32>
        tpu.vector_store_idx %arg10[%add3A_285], %mul3A_286 {add = true} : memref<40000xf32, #tpu.memory_space<vmem>>[vector<16xi32>], vector<16xf32>,
        %add3A_287 = arith.constant 1 : i32
        %add3A_288 = vector.broadcast %add3A_287 : i32 to vector<16xi32>
        %add3A_289 = arith.addi %mul3A_210, %add3A_288 : vector<16xi32>
        %mul3A_290 = arith.mulf %mul3A_204, %gather3A_234 : vector<16xf32>
        tpu.vector_store_idx %arg10[%add3A_289], %mul3A_290 {add = true} : memref<40000xf32, #tpu.memory_space<vmem>>[vector<16xi32>], vector<16xf32>,
        %add3A_291 = arith.constant 2 : i32
        %add3A_292 = vector.broadcast %add3A_291 : i32 to vector<16xi32>
        %add3A_293 = arith.addi %mul3A_207, %add3A_292 : vector<16xi32>
        %mul3A_294 = arith.mulf %mul3A_204, %gather3A_222 : vector<16xf32>
        tpu.vector_store_idx %arg10[%add3A_293], %mul3A_294 {add = true} : memref<40000xf32, #tpu.memory_space<vmem>>[vector<16xi32>], vector<16xf32>,
        %add3A_295 = arith.constant 2 : i32
        %add3A_296 = vector.broadcast %add3A_295 : i32 to vector<16xi32>
        %add3A_297 = arith.addi %mul3A_210, %add3A_296 : vector<16xi32>
        %mul3A_298 = arith.mulf %mul3A_204, %gather3A_238 : vector<16xf32>
        tpu.vector_store_idx %arg10[%add3A_297], %mul3A_298 {add = true} : memref<40000xf32, #tpu.memory_space<vmem>>[vector<16xi32>], vector<16xf32>,
        %add3A_299 = arith.constant 3 : i32
        %add3A_300 = vector.broadcast %add3A_299 : i32 to vector<16xi32>
        %add3A_301 = arith.addi %mul3A_207, %add3A_300 : vector<16xi32>
        %mul3A_302 = arith.mulf %mul3A_204, %gather3A_226 : vector<16xf32>
        tpu.vector_store_idx %arg10[%add3A_301], %mul3A_302 {add = true} : memref<40000xf32, #tpu.memory_space<vmem>>[vector<16xi32>], vector<16xf32>,
        %add3A_303 = arith.constant 3 : i32
        %add3A_304 = vector.broadcast %add3A_303 : i32 to vector<16xi32>
        %add3A_305 = arith.addi %mul3A_210, %add3A_304 : vector<16xi32>
        %mul3A_306 = arith.mulf %mul3A_204, %gather3A_242 : vector<16xf32>
        tpu.vector_store_idx %arg10[%add3A_305], %mul3A_306 {add = true} : memref<40000xf32, #tpu.memory_space<vmem>>[vector<16xi32>], vector<16xf32>,
      }
      %scan3A_129 = arith.constant 80 : i32
      %add3A_130 = arith.constant 2 : i32
      %add3A_131 = arith.addi %mul3A_98, %add3A_130 : i32
      %lt3A_132 = arith.constant 125 : i32
      %lt3A_133 = arith.cmpi slt, %add3A_131, %lt3A_132 : i32
      %convert_element_type3A_134 = arith.extui %lt3A_133 : i1 to i32
      %cond3A_135 = arith.constant 0 : i32
      %cond3A_136 = arith.cmpi ne, %convert_element_type3A_134, %cond3A_135 : i32
      scf.if %cond3A_136 {
        %add3A_144 = arith.constant 2 : i32
        %add3A_145 = arith.addi %mul3A_98, %add3A_144 : i32
        %mul3A_146 = arith.constant 2560 : i32
        %mul3A_147 = arith.muli %add3A_145, %mul3A_146 : i32
        %dma_start3A_148 = arith.constant 0 : i32
        %dma_start3A_149 = tpu.memref_slice %arg13[%dma_start3A_148] : memref<5120xi32, #tpu.memory_space<vmem>> -> memref<2560xi32, #tpu.memory_space<vmem>>
        %dma_start3A_150 = tpu.memref_slice %arg6[%mul3A_147] : memref<320000xi32, #tpu.memory_space<hbm>> -> memref<2560xi32, #tpu.memory_space<hbm>>
        %dma_start3A_151 = arith.constant 0 : i32
        %dma_start3A_152 = tpu.memref_slice %arg13[%dma_start3A_151] : memref<5120xi32, #tpu.memory_space<vmem>> -> memref<2560xi32, #tpu.memory_space<vmem>>
        %dma_start3A_153 = tpu.memref_slice %arg6[%mul3A_147] : memref<320000xi32, #tpu.memory_space<hbm>> -> memref<2560xi32, #tpu.memory_space<hbm>>
        tpu.enqueue_dma source(%dma_start3A_153 : memref<2560xi32, #tpu.memory_space<hbm>>) target(%dma_start3A_152 : memref<2560xi32, #tpu.memory_space<vmem>>) target_semaphore(%arg19 : memref<!tpu.dma_semaphore, #tpu.memory_space<semaphore_mem>>)
        %dma_start3A_154 = arith.constant 0 : i32
        %dma_start3A_155 = tpu.memref_slice %arg14[%dma_start3A_154] : memref<5120xi32, #tpu.memory_space<vmem>> -> memref<2560xi32, #tpu.memory_space<vmem>>
        %dma_start3A_156 = tpu.memref_slice %arg7[%mul3A_147] : memref<320000xi32, #tpu.memory_space<hbm>> -> memref<2560xi32, #tpu.memory_space<hbm>>
        %dma_start3A_157 = arith.constant 0 : i32
        %dma_start3A_158 = tpu.memref_slice %arg14[%dma_start3A_157] : memref<5120xi32, #tpu.memory_space<vmem>> -> memref<2560xi32, #tpu.memory_space<vmem>>
        %dma_start3A_159 = tpu.memref_slice %arg7[%mul3A_147] : memref<320000xi32, #tpu.memory_space<hbm>> -> memref<2560xi32, #tpu.memory_space<hbm>>
        tpu.enqueue_dma source(%dma_start3A_159 : memref<2560xi32, #tpu.memory_space<hbm>>) target(%dma_start3A_158 : memref<2560xi32, #tpu.memory_space<vmem>>) target_semaphore(%arg21 : memref<!tpu.dma_semaphore, #tpu.memory_space<semaphore_mem>>)
        %dma_start3A_160 = arith.constant 0 : i32
        %dma_start3A_161 = tpu.memref_slice %arg15[%dma_start3A_160] : memref<5120xf32, #tpu.memory_space<vmem>> -> memref<2560xf32, #tpu.memory_space<vmem>>
        %dma_start3A_162 = tpu.memref_slice %arg5[%mul3A_147] : memref<320000xf32, #tpu.memory_space<hbm>> -> memref<2560xf32, #tpu.memory_space<hbm>>
        %dma_start3A_163 = arith.constant 0 : i32
        %dma_start3A_164 = tpu.memref_slice %arg15[%dma_start3A_163] : memref<5120xf32, #tpu.memory_space<vmem>> -> memref<2560xf32, #tpu.memory_space<vmem>>
        %dma_start3A_165 = tpu.memref_slice %arg5[%mul3A_147] : memref<320000xf32, #tpu.memory_space<hbm>> -> memref<2560xf32, #tpu.memory_space<hbm>>
        tpu.enqueue_dma source(%dma_start3A_165 : memref<2560xf32, #tpu.memory_space<hbm>>) target(%dma_start3A_164 : memref<2560xf32, #tpu.memory_space<vmem>>) target_semaphore(%arg23 : memref<!tpu.dma_semaphore, #tpu.memory_space<semaphore_mem>>)
      } else {
      }
      %add3A_137 = arith.constant 1 : i32
      %add3A_138 = arith.addi %mul3A_98, %add3A_137 : i32
      %lt3A_139 = arith.constant 125 : i32
      %lt3A_140 = arith.cmpi slt, %add3A_138, %lt3A_139 : i32
      %convert_element_type3A_141 = arith.extui %lt3A_140 : i1 to i32
      %cond3A_142 = arith.constant 0 : i32
      %cond3A_143 = arith.cmpi ne, %convert_element_type3A_141, %cond3A_142 : i32
      scf.if %cond3A_143 {
        %add3A_144 = arith.constant 1 : i32
        %add3A_145 = arith.addi %mul3A_98, %add3A_144 : i32
        %mul3A_146 = arith.constant 2560 : i32
        %mul3A_147 = arith.muli %add3A_145, %mul3A_146 : i32
        %dma_wait3A_148 = arith.constant 2560 : i32
        %dma_wait3A_149 = tpu.memref_slice %arg13[%dma_wait3A_148] : memref<5120xi32, #tpu.memory_space<vmem>> -> memref<2560xi32, #tpu.memory_space<vmem>>
        %dma_wait3A_150 = tpu.memref_slice %arg6[%mul3A_147] : memref<320000xi32, #tpu.memory_space<hbm>> -> memref<2560xi32, #tpu.memory_space<hbm>>
        %dma_wait3A_151 = arith.constant 2560 : i32
        %dma_wait3A_152 = tpu.memref_slice %arg13[%dma_wait3A_151] : memref<5120xi32, #tpu.memory_space<vmem>> -> memref<2560xi32, #tpu.memory_space<vmem>>
        %dma_wait3A_153 = tpu.memref_slice %arg6[%mul3A_147] : memref<320000xi32, #tpu.memory_space<hbm>> -> memref<2560xi32, #tpu.memory_space<hbm>>
        tpu.wait_dma2 semaphore(%arg20 : memref<!tpu.dma_semaphore, #tpu.memory_space<semaphore_mem>>) src(%dma_wait3A_153 : memref<2560xi32, #tpu.memory_space<hbm>>) dst(%dma_wait3A_152 : memref<2560xi32, #tpu.memory_space<vmem>>)
        %dma_wait3A_154 = arith.constant 2560 : i32
        %dma_wait3A_155 = tpu.memref_slice %arg14[%dma_wait3A_154] : memref<5120xi32, #tpu.memory_space<vmem>> -> memref<2560xi32, #tpu.memory_space<vmem>>
        %dma_wait3A_156 = tpu.memref_slice %arg7[%mul3A_147] : memref<320000xi32, #tpu.memory_space<hbm>> -> memref<2560xi32, #tpu.memory_space<hbm>>
        %dma_wait3A_157 = arith.constant 2560 : i32
        %dma_wait3A_158 = tpu.memref_slice %arg14[%dma_wait3A_157] : memref<5120xi32, #tpu.memory_space<vmem>> -> memref<2560xi32, #tpu.memory_space<vmem>>
        %dma_wait3A_159 = tpu.memref_slice %arg7[%mul3A_147] : memref<320000xi32, #tpu.memory_space<hbm>> -> memref<2560xi32, #tpu.memory_space<hbm>>
        tpu.wait_dma2 semaphore(%arg22 : memref<!tpu.dma_semaphore, #tpu.memory_space<semaphore_mem>>) src(%dma_wait3A_159 : memref<2560xi32, #tpu.memory_space<hbm>>) dst(%dma_wait3A_158 : memref<2560xi32, #tpu.memory_space<vmem>>)
        %dma_wait3A_160 = arith.constant 2560 : i32
        %dma_wait3A_161 = tpu.memref_slice %arg15[%dma_wait3A_160] : memref<5120xf32, #tpu.memory_space<vmem>> -> memref<2560xf32, #tpu.memory_space<vmem>>
        %dma_wait3A_162 = tpu.memref_slice %arg5[%mul3A_147] : memref<320000xf32, #tpu.memory_space<hbm>> -> memref<2560xf32, #tpu.memory_space<hbm>>
        %dma_wait3A_163 = arith.constant 2560 : i32
        %dma_wait3A_164 = tpu.memref_slice %arg15[%dma_wait3A_163] : memref<5120xf32, #tpu.memory_space<vmem>> -> memref<2560xf32, #tpu.memory_space<vmem>>
        %dma_wait3A_165 = tpu.memref_slice %arg5[%mul3A_147] : memref<320000xf32, #tpu.memory_space<hbm>> -> memref<2560xf32, #tpu.memory_space<hbm>>
        tpu.wait_dma2 semaphore(%arg24 : memref<!tpu.dma_semaphore, #tpu.memory_space<semaphore_mem>>) src(%dma_wait3A_165 : memref<2560xf32, #tpu.memory_space<hbm>>) dst(%dma_wait3A_164 : memref<2560xf32, #tpu.memory_space<vmem>>)
        %scan3A_166 = arith.constant 0 : i32
        %scan3A_167 = arith.constant 0 : i32
        %scan3A_168 = arith.constant 80 : i32
        %scan3A_169 = arith.addi %scan3A_167, %scan3A_168 : i32
        %scan3A_170 = arith.constant 1 : i32
        scf.for %scan3A_172 = %scan3A_167 to %scan3A_169 step %scan3A_170  : i32 {
          %mul3A_173 = arith.constant 32 : i32
          %mul3A_174 = arith.muli %scan3A_172, %mul3A_173 : i32
          %add3A_175 = arith.constant 2560 : i32
          %add3A_176 = arith.addi %add3A_175, %mul3A_174 : i32
          %add3A_177 = arith.constant 0 : i32
          %add3A_178 = arith.addi %add3A_176, %add3A_177 : i32
          %get3A = arith.index_cast %add3A_178 : i32 to index
          %get3A_179 = tpu.vector_load %arg13[%get3A] {strides = array<i32>} : memref<5120xi32, #tpu.memory_space<vmem>>, vector<16xi32>,
          %get3A_180 = arith.index_cast %add3A_178 : i32 to index
          %get3A_181 = tpu.vector_load %arg14[%get3A_180] {strides = array<i32>} : memref<5120xi32, #tpu.memory_space<vmem>>, vector<16xi32>,
          %get3A_182 = arith.index_cast %add3A_178 : i32 to index
          %get3A_183 = tpu.vector_load %arg15[%get3A_182] {strides = array<i32>} : memref<5120xf32, #tpu.memory_space<vmem>>, vector<16xf32>,
          %gather3A = tpu.vector_load_idx %arg11[%get3A_179] : memref<10016xf32, #tpu.memory_space<vmem>>[vector<16xi32>], vector<16xf32>,
          %mul3A_184 = arith.mulf %get3A_183, %gather3A : vector<16xf32>
          %mul3A_185 = arith.constant 4 : i32
          %mul3A_186 = vector.broadcast %mul3A_185 : i32 to vector<16xi32>
          %mul3A_187 = arith.muli %get3A_179, %mul3A_186 : vector<16xi32>
          %mul3A_188 = arith.constant 4 : i32
          %mul3A_189 = vector.broadcast %mul3A_188 : i32 to vector<16xi32>
          %mul3A_190 = arith.muli %get3A_181, %mul3A_189 : vector<16xi32>
          %add3A_191 = arith.constant 0 : i32
          %add3A_192 = vector.broadcast %add3A_191 : i32 to vector<16xi32>
          %add3A_193 = arith.addi %mul3A_190, %add3A_192 : vector<16xi32>
          %gather3A_194 = tpu.vector_load_idx %arg9[%add3A_193] : memref<40000xf32, #tpu.memory_space<vmem>>[vector<16xi32>], vector<16xf32>,
          %add3A_195 = arith.constant 1 : i32
          %add3A_196 = vector.broadcast %add3A_195 : i32 to vector<16xi32>
          %add3A_197 = arith.addi %mul3A_190, %add3A_196 : vector<16xi32>
          %gather3A_198 = tpu.vector_load_idx %arg9[%add3A_197] : memref<40000xf32, #tpu.memory_space<vmem>>[vector<16xi32>], vector<16xf32>,
          %add3A_199 = arith.constant 2 : i32
          %add3A_200 = vector.broadcast %add3A_199 : i32 to vector<16xi32>
          %add3A_201 = arith.addi %mul3A_190, %add3A_200 : vector<16xi32>
          %gather3A_202 = tpu.vector_load_idx %arg9[%add3A_201] : memref<40000xf32, #tpu.memory_space<vmem>>[vector<16xi32>], vector<16xf32>,
          %add3A_203 = arith.constant 3 : i32
          %add3A_204 = vector.broadcast %add3A_203 : i32 to vector<16xi32>
          %add3A_205 = arith.addi %mul3A_190, %add3A_204 : vector<16xi32>
          %gather3A_206 = tpu.vector_load_idx %arg9[%add3A_205] : memref<40000xf32, #tpu.memory_space<vmem>>[vector<16xi32>], vector<16xf32>,
          %add3A_207 = arith.constant 0 : i32
          %add3A_208 = vector.broadcast %add3A_207 : i32 to vector<16xi32>
          %add3A_209 = arith.addi %mul3A_187, %add3A_208 : vector<16xi32>
          %gather3A_210 = tpu.vector_load_idx %arg9[%add3A_209] : memref<40000xf32, #tpu.memory_space<vmem>>[vector<16xi32>], vector<16xf32>,
          %add3A_211 = arith.constant 1 : i32
          %add3A_212 = vector.broadcast %add3A_211 : i32 to vector<16xi32>
          %add3A_213 = arith.addi %mul3A_187, %add3A_212 : vector<16xi32>
          %gather3A_214 = tpu.vector_load_idx %arg9[%add3A_213] : memref<40000xf32, #tpu.memory_space<vmem>>[vector<16xi32>], vector<16xf32>,
          %add3A_215 = arith.constant 2 : i32
          %add3A_216 = vector.broadcast %add3A_215 : i32 to vector<16xi32>
          %add3A_217 = arith.addi %mul3A_187, %add3A_216 : vector<16xi32>
          %gather3A_218 = tpu.vector_load_idx %arg9[%add3A_217] : memref<40000xf32, #tpu.memory_space<vmem>>[vector<16xi32>], vector<16xf32>,
          %add3A_219 = arith.constant 3 : i32
          %add3A_220 = vector.broadcast %add3A_219 : i32 to vector<16xi32>
          %add3A_221 = arith.addi %mul3A_187, %add3A_220 : vector<16xi32>
          %gather3A_222 = tpu.vector_load_idx %arg9[%add3A_221] : memref<40000xf32, #tpu.memory_space<vmem>>[vector<16xi32>], vector<16xf32>,
          %add3A_223 = arith.constant 16 : i32
          %add3A_224 = arith.addi %add3A_176, %add3A_223 : i32
          %get3A_225 = arith.index_cast %add3A_224 : i32 to index
          %get3A_226 = tpu.vector_load %arg13[%get3A_225] {strides = array<i32>} : memref<5120xi32, #tpu.memory_space<vmem>>, vector<16xi32>,
          %get3A_227 = arith.index_cast %add3A_224 : i32 to index
          %get3A_228 = tpu.vector_load %arg14[%get3A_227] {strides = array<i32>} : memref<5120xi32, #tpu.memory_space<vmem>>, vector<16xi32>,
          %get3A_229 = arith.index_cast %add3A_224 : i32 to index
          %get3A_230 = tpu.vector_load %arg15[%get3A_229] {strides = array<i32>} : memref<5120xf32, #tpu.memory_space<vmem>>, vector<16xf32>,
          %gather3A_231 = tpu.vector_load_idx %arg11[%get3A_226] : memref<10016xf32, #tpu.memory_space<vmem>>[vector<16xi32>], vector<16xf32>,
          %mul3A_232 = arith.mulf %get3A_230, %gather3A_231 : vector<16xf32>
          %mul3A_233 = arith.constant 4 : i32
          %mul3A_234 = vector.broadcast %mul3A_233 : i32 to vector<16xi32>
          %mul3A_235 = arith.muli %get3A_226, %mul3A_234 : vector<16xi32>
          %mul3A_236 = arith.constant 4 : i32
          %mul3A_237 = vector.broadcast %mul3A_236 : i32 to vector<16xi32>
          %mul3A_238 = arith.muli %get3A_228, %mul3A_237 : vector<16xi32>
          %add3A_239 = arith.constant 0 : i32
          %add3A_240 = vector.broadcast %add3A_239 : i32 to vector<16xi32>
          %add3A_241 = arith.addi %mul3A_238, %add3A_240 : vector<16xi32>
          %gather3A_242 = tpu.vector_load_idx %arg9[%add3A_241] : memref<40000xf32, #tpu.memory_space<vmem>>[vector<16xi32>], vector<16xf32>,
          %add3A_243 = arith.constant 1 : i32
          %add3A_244 = vector.broadcast %add3A_243 : i32 to vector<16xi32>
          %add3A_245 = arith.addi %mul3A_238, %add3A_244 : vector<16xi32>
          %gather3A_246 = tpu.vector_load_idx %arg9[%add3A_245] : memref<40000xf32, #tpu.memory_space<vmem>>[vector<16xi32>], vector<16xf32>,
          %add3A_247 = arith.constant 2 : i32
          %add3A_248 = vector.broadcast %add3A_247 : i32 to vector<16xi32>
          %add3A_249 = arith.addi %mul3A_238, %add3A_248 : vector<16xi32>
          %gather3A_250 = tpu.vector_load_idx %arg9[%add3A_249] : memref<40000xf32, #tpu.memory_space<vmem>>[vector<16xi32>], vector<16xf32>,
          %add3A_251 = arith.constant 3 : i32
          %add3A_252 = vector.broadcast %add3A_251 : i32 to vector<16xi32>
          %add3A_253 = arith.addi %mul3A_238, %add3A_252 : vector<16xi32>
          %gather3A_254 = tpu.vector_load_idx %arg9[%add3A_253] : memref<40000xf32, #tpu.memory_space<vmem>>[vector<16xi32>], vector<16xf32>,
          %add3A_255 = arith.constant 0 : i32
          %add3A_256 = vector.broadcast %add3A_255 : i32 to vector<16xi32>
          %add3A_257 = arith.addi %mul3A_235, %add3A_256 : vector<16xi32>
          %gather3A_258 = tpu.vector_load_idx %arg9[%add3A_257] : memref<40000xf32, #tpu.memory_space<vmem>>[vector<16xi32>], vector<16xf32>,
          %add3A_259 = arith.constant 1 : i32
          %add3A_260 = vector.broadcast %add3A_259 : i32 to vector<16xi32>
          %add3A_261 = arith.addi %mul3A_235, %add3A_260 : vector<16xi32>
          %gather3A_262 = tpu.vector_load_idx %arg9[%add3A_261] : memref<40000xf32, #tpu.memory_space<vmem>>[vector<16xi32>], vector<16xf32>,
          %add3A_263 = arith.constant 2 : i32
          %add3A_264 = vector.broadcast %add3A_263 : i32 to vector<16xi32>
          %add3A_265 = arith.addi %mul3A_235, %add3A_264 : vector<16xi32>
          %gather3A_266 = tpu.vector_load_idx %arg9[%add3A_265] : memref<40000xf32, #tpu.memory_space<vmem>>[vector<16xi32>], vector<16xf32>,
          %add3A_267 = arith.constant 3 : i32
          %add3A_268 = vector.broadcast %add3A_267 : i32 to vector<16xi32>
          %add3A_269 = arith.addi %mul3A_235, %add3A_268 : vector<16xi32>
          %gather3A_270 = tpu.vector_load_idx %arg9[%add3A_269] : memref<40000xf32, #tpu.memory_space<vmem>>[vector<16xi32>], vector<16xf32>,
          tpu.vector_store_idx %arg12[%get3A_179], %mul3A_184 {add = true} : memref<10016xf32, #tpu.memory_space<vmem>>[vector<16xi32>], vector<16xf32>,
          tpu.vector_store_idx %arg12[%get3A_181], %mul3A_184 {add = true} : memref<10016xf32, #tpu.memory_space<vmem>>[vector<16xi32>], vector<16xf32>,
          %add3A_271 = arith.constant 0 : i32
          %add3A_272 = vector.broadcast %add3A_271 : i32 to vector<16xi32>
          %add3A_273 = arith.addi %mul3A_187, %add3A_272 : vector<16xi32>
          %mul3A_274 = arith.mulf %mul3A_184, %gather3A_194 : vector<16xf32>
          tpu.vector_store_idx %arg10[%add3A_273], %mul3A_274 {add = true} : memref<40000xf32, #tpu.memory_space<vmem>>[vector<16xi32>], vector<16xf32>,
          %add3A_275 = arith.constant 0 : i32
          %add3A_276 = vector.broadcast %add3A_275 : i32 to vector<16xi32>
          %add3A_277 = arith.addi %mul3A_190, %add3A_276 : vector<16xi32>
          %mul3A_278 = arith.mulf %mul3A_184, %gather3A_210 : vector<16xf32>
          tpu.vector_store_idx %arg10[%add3A_277], %mul3A_278 {add = true} : memref<40000xf32, #tpu.memory_space<vmem>>[vector<16xi32>], vector<16xf32>,
          %add3A_279 = arith.constant 1 : i32
          %add3A_280 = vector.broadcast %add3A_279 : i32 to vector<16xi32>
          %add3A_281 = arith.addi %mul3A_187, %add3A_280 : vector<16xi32>
          %mul3A_282 = arith.mulf %mul3A_184, %gather3A_198 : vector<16xf32>
          tpu.vector_store_idx %arg10[%add3A_281], %mul3A_282 {add = true} : memref<40000xf32, #tpu.memory_space<vmem>>[vector<16xi32>], vector<16xf32>,
          %add3A_283 = arith.constant 1 : i32
          %add3A_284 = vector.broadcast %add3A_283 : i32 to vector<16xi32>
          %add3A_285 = arith.addi %mul3A_190, %add3A_284 : vector<16xi32>
          %mul3A_286 = arith.mulf %mul3A_184, %gather3A_214 : vector<16xf32>
          tpu.vector_store_idx %arg10[%add3A_285], %mul3A_286 {add = true} : memref<40000xf32, #tpu.memory_space<vmem>>[vector<16xi32>], vector<16xf32>,
          %add3A_287 = arith.constant 2 : i32
          %add3A_288 = vector.broadcast %add3A_287 : i32 to vector<16xi32>
          %add3A_289 = arith.addi %mul3A_187, %add3A_288 : vector<16xi32>
          %mul3A_290 = arith.mulf %mul3A_184, %gather3A_202 : vector<16xf32>
          tpu.vector_store_idx %arg10[%add3A_289], %mul3A_290 {add = true} : memref<40000xf32, #tpu.memory_space<vmem>>[vector<16xi32>], vector<16xf32>,
          %add3A_291 = arith.constant 2 : i32
          %add3A_292 = vector.broadcast %add3A_291 : i32 to vector<16xi32>
          %add3A_293 = arith.addi %mul3A_190, %add3A_292 : vector<16xi32>
          %mul3A_294 = arith.mulf %mul3A_184, %gather3A_218 : vector<16xf32>
          tpu.vector_store_idx %arg10[%add3A_293], %mul3A_294 {add = true} : memref<40000xf32, #tpu.memory_space<vmem>>[vector<16xi32>], vector<16xf32>,
          %add3A_295 = arith.constant 3 : i32
          %add3A_296 = vector.broadcast %add3A_295 : i32 to vector<16xi32>
          %add3A_297 = arith.addi %mul3A_187, %add3A_296 : vector<16xi32>
          %mul3A_298 = arith.mulf %mul3A_184, %gather3A_206 : vector<16xf32>
          tpu.vector_store_idx %arg10[%add3A_297], %mul3A_298 {add = true} : memref<40000xf32, #tpu.memory_space<vmem>>[vector<16xi32>], vector<16xf32>,
          %add3A_299 = arith.constant 3 : i32
          %add3A_300 = vector.broadcast %add3A_299 : i32 to vector<16xi32>
          %add3A_301 = arith.addi %mul3A_190, %add3A_300 : vector<16xi32>
          %mul3A_302 = arith.mulf %mul3A_184, %gather3A_222 : vector<16xf32>
          tpu.vector_store_idx %arg10[%add3A_301], %mul3A_302 {add = true} : memref<40000xf32, #tpu.memory_space<vmem>>[vector<16xi32>], vector<16xf32>,
          tpu.vector_store_idx %arg12[%get3A_226], %mul3A_232 {add = true} : memref<10016xf32, #tpu.memory_space<vmem>>[vector<16xi32>], vector<16xf32>,
          tpu.vector_store_idx %arg12[%get3A_228], %mul3A_232 {add = true} : memref<10016xf32, #tpu.memory_space<vmem>>[vector<16xi32>], vector<16xf32>,
          %add3A_303 = arith.constant 0 : i32
          %add3A_304 = vector.broadcast %add3A_303 : i32 to vector<16xi32>
          %add3A_305 = arith.addi %mul3A_235, %add3A_304 : vector<16xi32>
          %mul3A_306 = arith.mulf %mul3A_232, %gather3A_242 : vector<16xf32>
          tpu.vector_store_idx %arg10[%add3A_305], %mul3A_306 {add = true} : memref<40000xf32, #tpu.memory_space<vmem>>[vector<16xi32>], vector<16xf32>,
          %add3A_307 = arith.constant 0 : i32
          %add3A_308 = vector.broadcast %add3A_307 : i32 to vector<16xi32>
          %add3A_309 = arith.addi %mul3A_238, %add3A_308 : vector<16xi32>
          %mul3A_310 = arith.mulf %mul3A_232, %gather3A_258 : vector<16xf32>
          tpu.vector_store_idx %arg10[%add3A_309], %mul3A_310 {add = true} : memref<40000xf32, #tpu.memory_space<vmem>>[vector<16xi32>], vector<16xf32>,
          %add3A_311 = arith.constant 1 : i32
          %add3A_312 = vector.broadcast %add3A_311 : i32 to vector<16xi32>
          %add3A_313 = arith.addi %mul3A_235, %add3A_312 : vector<16xi32>
          %mul3A_314 = arith.mulf %mul3A_232, %gather3A_246 : vector<16xf32>
          tpu.vector_store_idx %arg10[%add3A_313], %mul3A_314 {add = true} : memref<40000xf32, #tpu.memory_space<vmem>>[vector<16xi32>], vector<16xf32>,
          %add3A_315 = arith.constant 1 : i32
          %add3A_316 = vector.broadcast %add3A_315 : i32 to vector<16xi32>
          %add3A_317 = arith.addi %mul3A_238, %add3A_316 : vector<16xi32>
          %mul3A_318 = arith.mulf %mul3A_232, %gather3A_262 : vector<16xf32>
          tpu.vector_store_idx %arg10[%add3A_317], %mul3A_318 {add = true} : memref<40000xf32, #tpu.memory_space<vmem>>[vector<16xi32>], vector<16xf32>,
          %add3A_319 = arith.constant 2 : i32
          %add3A_320 = vector.broadcast %add3A_319 : i32 to vector<16xi32>
          %add3A_321 = arith.addi %mul3A_235, %add3A_320 : vector<16xi32>
          %mul3A_322 = arith.mulf %mul3A_232, %gather3A_250 : vector<16xf32>
          tpu.vector_store_idx %arg10[%add3A_321], %mul3A_322 {add = true} : memref<40000xf32, #tpu.memory_space<vmem>>[vector<16xi32>], vector<16xf32>,
          %add3A_323 = arith.constant 2 : i32
          %add3A_324 = vector.broadcast %add3A_323 : i32 to vector<16xi32>
          %add3A_325 = arith.addi %mul3A_238, %add3A_324 : vector<16xi32>
          %mul3A_326 = arith.mulf %mul3A_232, %gather3A_266 : vector<16xf32>
          tpu.vector_store_idx %arg10[%add3A_325], %mul3A_326 {add = true} : memref<40000xf32, #tpu.memory_space<vmem>>[vector<16xi32>], vector<16xf32>,
          %add3A_327 = arith.constant 3 : i32
          %add3A_328 = vector.broadcast %add3A_327 : i32 to vector<16xi32>
          %add3A_329 = arith.addi %mul3A_235, %add3A_328 : vector<16xi32>
          %mul3A_330 = arith.mulf %mul3A_232, %gather3A_254 : vector<16xf32>
          tpu.vector_store_idx %arg10[%add3A_329], %mul3A_330 {add = true} : memref<40000xf32, #tpu.memory_space<vmem>>[vector<16xi32>], vector<16xf32>,
          %add3A_331 = arith.constant 3 : i32
          %add3A_332 = vector.broadcast %add3A_331 : i32 to vector<16xi32>
          %add3A_333 = arith.addi %mul3A_238, %add3A_332 : vector<16xi32>
          %mul3A_334 = arith.mulf %mul3A_232, %gather3A_270 : vector<16xf32>
          tpu.vector_store_idx %arg10[%add3A_333], %mul3A_334 {add = true} : memref<40000xf32, #tpu.memory_space<vmem>>[vector<16xi32>], vector<16xf32>,
        }
        %scan3A_171 = arith.constant 80 : i32
      } else {
      }
    }
    %scan3A_65 = arith.constant 63 : i32
    %iota3A = tpu.iota {dimensions = array<i32: 0>} : vector<16xi32>
    %mul3A_66 = arith.constant 4 : i32
    %mul3A_67 = arith.muli %add3A, %mul3A_66 : i32
    %jit3A = arith.constant 4 : i32
    %eq3A = arith.constant 0 : i32
    %eq3A_68 = arith.cmpi eq, %jit3A, %eq3A : i32
    %jit3A_69 = arith.constant 1 : i32
    %select_n3A = arith.select %eq3A_68, %jit3A_69, %jit3A : i32
    %rem3A = vector.broadcast %select_n3A : i32 to vector<16xi32>
    %rem3A_70 = arith.remsi %iota3A, %rem3A : vector<16xi32>
    %ne3A = arith.constant 0 : i32
    %ne3A_71 = vector.broadcast %ne3A : i32 to vector<16xi32>
    %ne3A_72 = arith.cmpi ne, %rem3A_70, %ne3A_71 : vector<16xi32>
    %lt3A = arith.constant 0 : i32
    %lt3A_73 = vector.broadcast %lt3A : i32 to vector<16xi32>
    %lt3A_74 = arith.cmpi slt, %rem3A_70, %lt3A_73 : vector<16xi32>
    %lt3A_75 = arith.constant 0 : i32
    %lt3A_76 = arith.cmpi slt, %select_n3A, %lt3A_75 : i32
    %ne3A_77 = vector.broadcast %lt3A_76 : i1 to vector<16xi1>
    %ne3A_78 = vector.broadcast %ne3A_77 : vector<16xi1> to vector<16xi1>
    %ne3A_79 = arith.xori %lt3A_74, %ne3A_78 : vector<16xi1>
    %and3A = arith.andi %ne3A_79, %ne3A_72 : vector<16xi1>
    %add3A_80 = vector.broadcast %select_n3A : i32 to vector<16xi32>
    %add3A_81 = arith.addi %rem3A_70, %add3A_80 : vector<16xi32>
    %select_n3A_82 = arith.select %and3A, %add3A_81, %rem3A_70 : vector<16xi1>, vector<16xi32>
    %add3A_83 = vector.broadcast %mul3A_67 : i32 to vector<16xi32>
    %add3A_84 = arith.addi %add3A_83, %select_n3A_82 : vector<16xi32>
    %convert_element_type3A = arith.sitofp %add3A_84 : vector<16xi32> to vector<16xf32>
    %mul3A_85 = arith.constant 0.590551198 : f32
    %mul3A_86 = vector.broadcast %mul3A_85 : f32 to vector<16xf32>
    %mul3A_87 = arith.mulf %convert_element_type3A, %mul3A_86 : vector<16xf32>
    %shift_right_arithmetic3A = arith.constant 2 : i32
    %shift_right_arithmetic3A_88 = vector.broadcast %shift_right_arithmetic3A : i32 to vector<16xi32>
    %shift_right_arithmetic3A_89 = arith.shrsi %iota3A, %shift_right_arithmetic3A_88 : vector<16xi32>
    %scan3A_90 = arith.constant 0 : i32
    %scan3A_91 = arith.constant 0 : i32
    %scan3A_92 = arith.constant 20 : i32
    %scan3A_93 = arith.addi %scan3A_91, %scan3A_92 : i32
    %scan3A_94 = arith.constant 1 : i32
    scf.for %scan3A_96 = %scan3A_91 to %scan3A_93 step %scan3A_94  : i32 {
      %mul3A_97 = arith.constant 2000 : i32
      %mul3A_98 = arith.muli %scan3A_96, %mul3A_97 : i32
      %add3A_99 = arith.addi %mul3A_2, %mul3A_98 : i32
      "tpu.region"() ({
        %run_scoped3A = tpu.sem_alloc : memref<!tpu.dma_semaphore, #tpu.memory_space<semaphore_mem>>
        %dma_start3A_106 = tpu.memref_slice %arg3[%add3A_99] : memref<1280000xf32, #tpu.memory_space<hbm>> -> memref<2000xf32, #tpu.memory_space<hbm>>
        %dma_start3A_107 = tpu.memref_slice %arg3[%add3A_99] : memref<1280000xf32, #tpu.memory_space<hbm>> -> memref<2000xf32, #tpu.memory_space<hbm>>
        tpu.enqueue_dma source(%dma_start3A_107 : memref<2000xf32, #tpu.memory_space<hbm>>) target(%arg16 : memref<2000xf32, #tpu.memory_space<vmem>>) target_semaphore(%run_scoped3A : memref<!tpu.dma_semaphore, #tpu.memory_space<semaphore_mem>>)
        %dma_wait3A = tpu.memref_slice %arg3[%add3A_99] : memref<1280000xf32, #tpu.memory_space<hbm>> -> memref<2000xf32, #tpu.memory_space<hbm>>
        %dma_wait3A_108 = tpu.memref_slice %arg3[%add3A_99] : memref<1280000xf32, #tpu.memory_space<hbm>> -> memref<2000xf32, #tpu.memory_space<hbm>>
        tpu.wait_dma2 semaphore(%run_scoped3A : memref<!tpu.dma_semaphore, #tpu.memory_space<semaphore_mem>>) src(%dma_wait3A_108 : memref<2000xf32, #tpu.memory_space<hbm>>) dst(%arg16 : memref<2000xf32, #tpu.memory_space<vmem>>)
        tpu.yield
      }) : () -> ()
      "tpu.region"() ({
        %run_scoped3A = tpu.sem_alloc : memref<!tpu.dma_semaphore, #tpu.memory_space<semaphore_mem>>
        %dma_start3A_106 = tpu.memref_slice %arg4[%add3A_99] : memref<1280000xf32, #tpu.memory_space<hbm>> -> memref<2000xf32, #tpu.memory_space<hbm>>
        %dma_start3A_107 = tpu.memref_slice %arg4[%add3A_99] : memref<1280000xf32, #tpu.memory_space<hbm>> -> memref<2000xf32, #tpu.memory_space<hbm>>
        tpu.enqueue_dma source(%dma_start3A_107 : memref<2000xf32, #tpu.memory_space<hbm>>) target(%arg17 : memref<2000xf32, #tpu.memory_space<vmem>>) target_semaphore(%run_scoped3A : memref<!tpu.dma_semaphore, #tpu.memory_space<semaphore_mem>>)
        %dma_wait3A = tpu.memref_slice %arg4[%add3A_99] : memref<1280000xf32, #tpu.memory_space<hbm>> -> memref<2000xf32, #tpu.memory_space<hbm>>
        %dma_wait3A_108 = tpu.memref_slice %arg4[%add3A_99] : memref<1280000xf32, #tpu.memory_space<hbm>> -> memref<2000xf32, #tpu.memory_space<hbm>>
        tpu.wait_dma2 semaphore(%run_scoped3A : memref<!tpu.dma_semaphore, #tpu.memory_space<semaphore_mem>>) src(%dma_wait3A_108 : memref<2000xf32, #tpu.memory_space<hbm>>) dst(%arg17 : memref<2000xf32, #tpu.memory_space<vmem>>)
        tpu.yield
      }) : () -> ()
      %scan3A_100 = arith.constant 0 : i32
      %scan3A_101 = arith.constant 0 : i32
      %scan3A_102 = arith.constant 125 : i32
      %scan3A_103 = arith.addi %scan3A_101, %scan3A_102 : i32
      %scan3A_104 = arith.constant 1 : i32
      scf.for %scan3A_106 = %scan3A_101 to %scan3A_103 step %scan3A_104  : i32 {
        %mul3A_107 = arith.constant 16 : i32
        %mul3A_108 = arith.muli %scan3A_106, %mul3A_107 : i32
        %mul3A_109 = arith.constant 2000 : i32
        %mul3A_110 = arith.muli %scan3A_96, %mul3A_109 : i32
        %mul3A_111 = arith.constant 16 : i32
        %mul3A_112 = arith.muli %scan3A_106, %mul3A_111 : i32
        %add3A_113 = arith.addi %mul3A_110, %mul3A_112 : i32
        %get3A = arith.index_cast %add3A_113 : i32 to index
        %get3A_114 = tpu.vector_load %arg9[%get3A] {strides = array<i32>} : memref<40000xf32, #tpu.memory_space<vmem>>, vector<16xf32>,
        %mul3A_115 = arith.constant 500 : i32
        %mul3A_116 = arith.muli %scan3A_96, %mul3A_115 : i32
        %mul3A_117 = arith.constant 4 : i32
        %mul3A_118 = arith.muli %scan3A_106, %mul3A_117 : i32
        %add3A_119 = arith.addi %mul3A_116, %mul3A_118 : i32
        %get3A_120 = arith.index_cast %add3A_119 : i32 to index
        %get3A_121 = tpu.vector_load %arg12[%get3A_120] {strides = array<i32>} : memref<10016xf32, #tpu.memory_space<vmem>>, vector<16xf32>,
        %reshape3A = vector.shape_cast %shift_right_arithmetic3A_89 : vector<16xi32> to vector<16x1xi32>
        %gather3A = vector.shape_cast %reshape3A : vector<16x1xi32> to vector<16xi32>
        %gather3A_122 = tpu.dynamic_gather %get3A_121[%gather3A] in [0] : vector<16xf32>, vector<16xi32> -> vector<16xf32>
        %get3A_123 = arith.index_cast %add3A_113 : i32 to index
        %get3A_124 = tpu.vector_load %arg10[%get3A_123] {strides = array<i32>} : memref<40000xf32, #tpu.memory_space<vmem>>, vector<16xf32>,
        %mul3A_125 = arith.mulf %gather3A_122, %get3A_114 : vector<16xf32>
        %sub3A = arith.subf %get3A_124, %mul3A_125 : vector<16xf32>
        %mul3A_126 = arith.mulf %mul3A_87, %sub3A : vector<16xf32>
        %get3A_127 = arith.index_cast %mul3A_108 : i32 to index
        %get3A_128 = tpu.vector_load %arg16[%get3A_127] {strides = array<i32>} : memref<2000xf32, #tpu.memory_space<vmem>>, vector<16xf32>,
        %sub3A_129 = arith.subf %mul3A_126, %get3A_128 : vector<16xf32>
        %get3A_130 = arith.index_cast %mul3A_108 : i32 to index
        %get3A_131 = tpu.vector_load %arg17[%get3A_130] {strides = array<i32>} : memref<2000xf32, #tpu.memory_space<vmem>>, vector<16xf32>,
        %sub3A_132 = arith.subf %sub3A_129, %get3A_131 : vector<16xf32>
        %mul3A_133 = arith.constant 1.000000e-01 : f32
        %mul3A_134 = vector.broadcast %mul3A_133 : f32 to vector<16xf32>
        %mul3A_135 = arith.mulf %mul3A_134, %sub3A_132 : vector<16xf32>
        %sub3A_136 = arith.subf %get3A_114, %mul3A_135 : vector<16xf32>
        %max3A = arith.constant 0.000000e+00 : f32
        %max3A_137 = vector.broadcast %max3A : f32 to vector<16xf32>
        %max3A_138 = arith.maximumf %sub3A_136, %max3A_137 : vector<16xf32>
        %swap3A = arith.index_cast %mul3A_108 : i32 to index
        %swap3A_139 = tpu.vector_load %arg18[%swap3A] {strides = array<i32>} : memref<2000xf32, #tpu.memory_space<vmem>>, vector<16xf32>,
        tpu.vector_store %arg18[%swap3A], %max3A_138 {strides = array<i32>} : memref<2000xf32, #tpu.memory_space<vmem>>, vector<16xf32>,
      }
      %scan3A_105 = arith.constant 125 : i32
      "tpu.region"() ({
        %run_scoped3A = tpu.sem_alloc : memref<!tpu.dma_semaphore, #tpu.memory_space<semaphore_mem>>
        %dma_start3A_106 = tpu.memref_slice %arg8[%add3A_99] : memref<1280000xf32, #tpu.memory_space<hbm>> -> memref<2000xf32, #tpu.memory_space<hbm>>
        %dma_start3A_107 = tpu.memref_slice %arg8[%add3A_99] : memref<1280000xf32, #tpu.memory_space<hbm>> -> memref<2000xf32, #tpu.memory_space<hbm>>
        tpu.enqueue_dma source(%arg18 : memref<2000xf32, #tpu.memory_space<vmem>>) target(%dma_start3A_107 : memref<2000xf32, #tpu.memory_space<hbm>>) target_semaphore(%run_scoped3A : memref<!tpu.dma_semaphore, #tpu.memory_space<semaphore_mem>>)
        %dma_wait3A = tpu.memref_slice %arg8[%add3A_99] : memref<1280000xf32, #tpu.memory_space<hbm>> -> memref<2000xf32, #tpu.memory_space<hbm>>
        %dma_wait3A_108 = tpu.memref_slice %arg8[%add3A_99] : memref<1280000xf32, #tpu.memory_space<hbm>> -> memref<2000xf32, #tpu.memory_space<hbm>>
        tpu.wait_dma2 semaphore(%run_scoped3A : memref<!tpu.dma_semaphore, #tpu.memory_space<semaphore_mem>>) src(%arg18 : memref<2000xf32, #tpu.memory_space<vmem>>) dst(%dma_wait3A_108 : memref<2000xf32, #tpu.memory_space<hbm>>)
        tpu.yield
      }) : () -> ()
    }
    %scan3A_95 = arith.constant 20 : i32
    return
  }
}

</mosaic_0001>

<sc_bundles>
// kernel: kernel.3.cloned.1.call-start
scs
__scs_entry_jumppad:
0x0: {  	(pc) =	sbr.rel $0x88, $3  }
0x1: {  	(tag) =	ssettag $0x0;
	lr =	simm.s32 $0x1  }
0x2: {  	[smem:$0x3F9C] =	sst lr;
	_ =	strace $0xD0000000  }
0x3: {  	_ = 	snop  }
0x4: {  	_ = 	snop  }
0x5: {  	_ = 	snop  }
0x6: {  	_ = 	snop  }
0x7: {  	_ = 	snop  }
__scs_overlays_trampoline_lowered:
0x8: {  	[smem:$0x3FAB] =	sst s0  }
0x9: {  	[smem:$0x3FAC] =	sst s1  }
0xa: {  	[smem:$0x3FAD] =	sst s2  }
0xb: {  	[smem:$0x3FAE] =	sst s3  }
0xc: {  	[smem:$0x3FAF] =	sst s4  }
0xd: {  	[smem:$0x3FB0] =	sst s5  }
0xe: {  	[smem:$0x3FB1] =	sst s6  }
0xf: {  	[smem:$0x3FB2] =	sst s7  }
0x10: {  	[smem:$0x3FB3] =	sst s8  }
0x11: {  	[smem:$0x3FB4] =	sst s9;
	s0 =	simm.s32 @!p0 $0x0  }
0x12: {  	s1 =	sld [smem:$0x3F9A];
	s0 =	simm.s32 @p0 $0x1  }
0x13: {  	[smem:$0x3FB5] =	sst s0;
	s0 =	simm.s32 @!p1 $0x0  }
0x14: {  	s2 =	sld [smem:$0x3F99];
	s0 =	simm.s32 @p1 $0x1  }
0x15: {  	[smem:$0x3FB6] =	sst s0;
	s0 =	simm.s32 @!p2 $0x0  }
0x16: {  	s3 =	sld [smem:$0x3FDB];
	s0 =	simm.s32 @p2 $0x1  }
0x17: {  	s4 =	simm.s32 $0x1BF5;
	[smem:$0x3FB8] =	sst s0  }
0x18: {  	s0 =	sld [smem:$0x3F9B];
	_ =	swait.ge [sflag:s4], $0x0  }
0x19: {  	s7 =	sld [smem:$0x3F9C]  }
0x1a: {  	s8 =	sadd.s32 $0xFFFFE003, lr  }
0x1b: {  	s9 =	sadd.s32 $0xFFFFFEF7, lr;
	s5 =	simm.s32 $0xFFFFFFFF;
	p2 =	slt.u32 s8, $0xFFFFF086  }
0x1c: {  	p1 =	slt.u32 s9, $0xF7A;
	s5 =	simm.s32 @!p2 $0x0  }
0x1d: {  	s5 =	simm.s32 @p1 $0x1;
	p0 =	seq.s32 s7, s2  }
0x1e: {  	s7 =	smul.u32 @!p0 $0xF7A, s2;
	p2 =	seq.s32 @!p0 s5, $0x0  }
0x1f: {  	s9 =	smul.u32 $0xF7A, s1;
	s8 =	simm.s32 @!p0 $0x1BF5;
	p2 =	por !p2, p0  }
0x20: {  	[sflag:s8] =	ssyncset.s32 @!p0 $0xFFFFF086;
	s6 =	sadd.s32 @!p0 s3, s7;
	s7 =	simm.s32 @!p0 $0x108  }
0x21: {  	s3 =	sadd.s32 s3, s9;
	s6 =	sadd.s32 @!p0 $0x88, s6;
	s7 =	simm.s32 @p2 $0x1082  }
0x22: {  	[simem:s7], [sflag:s8] =	dma.local @!p0 [hbm:s6], $0xF7A  }
0x23: {  	s9 =	sor.u32 $0xD0000000, s2;
	s6 =	simm.s32 $0x108;
	_ =	swait.ge @!p0 [sflag:s8], $0x0  }
0x24: {  	s3 =	sadd.s32 $0x88, s3;
	s6 =	simm.s32 @!p1 $0x1082;
	[sflag:s4] =	ssyncset.s32 $0xFFFFF086  }
0x25: {  	[simem:s6], [sflag:s4] =	dma.local [hbm:s3], $0xF7A  }
0x26: {  	[smem:$0x3F9C] =	sst s1;
	(tag) =	ssettag s2;
	_ =	strace s9  }
0x27: {  	s1 =	sld [smem:$0x3FAC]  }
0x28: {  	s2 =	sld [smem:$0x3FAD]  }
0x29: {  	s4 =	sld [smem:$0x3FAF]  }
0x2a: {  	p0 =	seq.s32 s5, $0x0;
	s5 =	sld [smem:$0x3FB0]  }
0x2b: {  	s6 =	sld [smem:$0x3FB1]  }
0x2c: {  	s7 =	sld [smem:$0x3FB2]  }
0x2d: {  	s3 =	simm.s32 $0x108;
	s8 =	sld [smem:$0x3FB3]  }
0x2e: {  	s3 =	simm.s32 @!p0 $0x1082;
	s9 =	sld [smem:$0x3FB4]  }
0x2f: {  	lr =	sadd.s32 s0, s3;
	s0 =	sld [smem:$0x3FAB]  }
0x30: {  	s3 =	sld [smem:$0x3FAE]  }
0x31: {  	[smem:$0x3FB7] =	sst s10  }
0x32: {  	s10 =	sld [smem:$0x3FB5];
	_ =	sdelay $0x3  }
0x33: {  	p0 =	seq.s32 s10, $0x1;
	s10 =	sld [smem:$0x3FB7];
	_ =	sdelay $0x3  }
0x34: {  	[smem:$0x3FB7] =	sst s10  }
0x35: {  	s10 =	sld [smem:$0x3FB6];
	_ =	sdelay $0x3  }
0x36: {  	p1 =	seq.s32 s10, $0x1;
	s10 =	sld [smem:$0x3FB7];
	_ =	sdelay $0x3  }
0x37: {  	[smem:$0x3FB7] =	sst s10  }
0x38: {  	s10 =	sld [smem:$0x3FB8]  }
0x39: {  	_ = 	snop;
	(pc) =	sbr.ind lr, $3  }
0x3a: {  	_ = 	snop  }
0x3b: {  	_ = 	snop  }
0x3c: {  	p2 =	seq.s32 s10, $0x1;
	s10 =	sld [smem:$0x3FB7]  }
0x3d: {  	_ =	shalt  }
0x3e: {  	_ =	shalt  }
0x3f: {  	_ =	shalt  }
0x40: {  	_ =	shalt  }
0x41: {  	_ =	shalt  }
0x42: {  	_ =	shalt  }
0x43: {  	_ =	shalt  }
0x44: {  	_ =	shalt  }
0x45: {  	_ =	shalt  }
0x46: {  	_ =	shalt  }
0x47: {  	_ =	shalt  }
0x48: {  	_ =	shalt  }
0x49: {  	_ =	shalt  }
0x4a: {  	_ =	shalt  }
0x4b: {  	_ =	shalt  }
0x4c: {  	_ =	shalt  }
0x4d: {  	_ =	shalt  }
0x4e: {  	_ =	shalt  }
0x4f: {  	_ =	shalt  }
0x50: {  	_ =	shalt  }
0x51: {  	_ =	shalt  }
0x52: {  	_ =	shalt  }
0x53: {  	_ =	shalt  }
0x54: {  	_ =	shalt  }
0x55: {  	_ =	shalt  }
0x56: {  	_ =	shalt  }
0x57: {  	_ =	shalt  }
0x58: {  	_ =	shalt  }
0x59: {  	_ =	shalt  }
0x5a: {  	_ =	shalt  }
0x5b: {  	_ =	shalt  }
0x5c: {  	_ =	shalt  }
0x5d: {  	_ =	shalt  }
0x5e: {  	_ =	shalt  }
0x5f: {  	_ =	shalt  }
0x60: {  	_ =	shalt  }
0x61: {  	_ =	shalt  }
0x62: {  	_ =	shalt  }
0x63: {  	_ =	shalt  }
0x64: {  	_ =	shalt  }
0x65: {  	_ =	shalt  }
0x66: {  	_ =	shalt  }
0x67: {  	_ =	shalt  }
0x68: {  	_ =	shalt  }
0x69: {  	_ =	shalt  }
0x6a: {  	_ =	shalt  }
0x6b: {  	_ =	shalt  }
0x6c: {  	_ =	shalt  }
0x6d: {  	_ =	shalt  }
0x6e: {  	_ =	shalt  }
0x6f: {  	_ =	shalt  }
0x70: {  	_ =	shalt  }
0x71: {  	_ =	shalt  }
0x72: {  	_ =	shalt  }
0x73: {  	_ =	shalt  }
0x74: {  	_ =	shalt  }
0x75: {  	_ =	shalt  }
0x76: {  	_ =	shalt  }
0x77: {  	_ =	shalt  }
0x78: {  	_ =	shalt  }
0x79: {  	_ =	shalt  }
0x7a: {  	_ =	shalt  }
0x7b: {  	_ =	shalt  }
0x7c: {  	_ =	shalt  }
0x7d: {  	_ =	shalt  }
0x7e: {  	_ =	shalt  }
0x7f: {  	_ =	shalt  }
0x80: {  	_ =	shalt  }
0x81: {  	_ =	shalt  }
0x82: {  	_ =	shalt  }
0x83: {  	_ =	shalt  }
0x84: {  	_ =	shalt  }
0x85: {  	_ =	shalt  }
0x86: {  	_ =	shalt  }
0x87: {  	_ =	shalt  }
.Lfunc_end0:
.L_simem_size_0:
called_computation_lowered:
.L_overlay_start_0:
0x88: {  	s2 =	sld [smem:$0x3FD9]  }
0x89: {  	s3 =	sld [smem:$0x3FFE];
	_ =	sdelay $0x1  }
0x8a: {  	s1 =	srdreg.scid  }
0x8b: {  	s0 =	sand.u32 $0x1, s1  }
0x8c: {  	s17 =	sshll.u32 s0, $0xA;
	s2 =	sadd.s32 s3, s2  }
0x8d: {  	s2 =	sadd.s32 s2, s17  }
0x8e: {  	[smem:$0x3FC3] =	sst s2  }
0x8f: {  	_ = 	snop  }
0x90: {  	s2 =	sld [smem:$0x3FC6]  }
0x91: {  	s18 =	sld [smem:$0x3FD0];
	(tm) =	ssettm $0x1  }
0x92: {  	s4 =	sld [smem:$0x3FFB];
	_ =	sdelay $0x3  }
0x93: {  	_ =	strace s4  }
0x94: {  	s4 =	sld [smem:$0x3FFC];
	_ =	sdelay $0x3  }
0x95: {  	_ =	strace s4  }
0x96: {  	s4 =	sld [smem:$0x3FFD];
	_ =	sdelay $0x3  }
0x97: {  	_ =	strace s4  }
0x98: {  	_ =	strace $0x8FFFFFFF  }
0x99: {  	s19 =	sld [smem:$0x3FDB];
	_ =	sdelay $0x1  }
0x9a: {  	s5 =	simm.s32 $_scs_section_size  }
0x9b: {  	s6 =	simm.s32 $_size__tile_overlayer_lowered;
	s7 =	simm.s32 $_tile_overlayer_lowered  }
0x9c: {  	s22 =	simm.s32 $0x1BFF;
	s21 =	sshll.u32 s7, $0x1;
	s4 =	sadd.s32 s5, s19  }
0x9d: {  	s8 =	simm.s32 $0x0;
	s20 =	sshll.u32 s6, $0x1;
	s6 =	sadd.s32 s21, s4  }
0x9e: {  	[timem:s8], [sflag:s22] =	dma.local [hbm:s6], s20  }
0x9f: {  	_ =	swait.ge [sflag:s22], s20  }
0xa0: {  	s5 =	ssub.s32 $0x0, s20;
	[sflag:s22] =	ssyncset.done $0x0  }
0xa1: {  	[sflag:s22] =	ssyncadd.s32 s5;
	_ =	sdelay $0x1  }
0xa2: {  	s23 =	simm.s32 $0x1B8B  }
0xa3: {  	_ =	swait.ge [sflag:s23], $0x1  }
0xa4: {  	[sflag:s23] =	ssyncset.done $0x0  }
0xa5: {  	s25 =	simm.s32 $0x1B8E;
	s24 =	sld [smem:$0x3FFE];
	[sflag:s23] =	ssyncadd.s32 $0xFFFFFFFF  }
0xa6: {  	s26 =	simm.s32 $execute0_lowered;
	[smem:$0x3FD2] =	sst s25  }
0xa7: {  	s6 =	sshll.u32 s26, $0x1;
	_ =	strace $0x80000046;
	[dreg:$0x1] =	wrdreg $0xFFFFFFFF  }
0xa8: {  	s28 =	simm.s32 $_size_execute0_lowered;
	s4 =	sadd.s32 s4, s6;
	[dreg:$0x0] =	wrdreg $0x0  }
0xa9: {  	s6 =	sshll.u32 s28, $0x1;
	[dreg:$0x2] =	wrdreg s4  }
0xaa: {  	[dreg:$0x3] =	wrdreg s6  }
0xab: {  	[dreg:$0x4] =	wrdreg $0xC0  }
0xac: {  	_ =	task [dreg:s8], $0x5FFFF  }
0xad: {  	[dreg:$0x1] =	wrdreg $0xFFFFFFFF  }
0xae: {  	[dreg:$0x0] =	wrdreg $0x60  }
0xaf: {  	[dreg:$0x2] =	wrdreg s18  }
0xb0: {  	[dreg:$0x3] =	wrdreg s24  }
0xb1: {  	[dreg:$0x4] =	wrdreg s2  }
0xb2: {  	[dreg:$0x5] =	wrdreg $0x9  }
0xb3: {  	_ =	task.clear_ibuf [dreg:s8], $0x6FFFF;
	_ =	strace $0x90000046  }
0xb4: {  	s29 =	simm.s32 $0x9;
	_ =	strace $0x80000048  }
0xb5: {  	_ =	swait.ge [sflag:s29], $0x1  }
0xb6: {  	[sflag:s29] =	ssyncadd.s32 $0xFFFFFFFF  }
0xb7: {  	_ =	strace $0x90000048  }
0xb8: {  	_ =	sfence  }
0xb9: {  	s30 =	sld [smem:$0x0];
	_ =	sdelay $0x2  }
0xba: {  	s31 =	sshll.u32 s1, $0xD;
	s1 =	sshrl.u32 s1, $0x2  }
0xbb: {  	s3 =	sand.u32 $0x4000, s31;
	s1 =	sadd.s32 s1, s30  }
0xbc: {  	s0 =	sor.u32 s3, s0;
	s1 =	sshll.u32 s1, $0x11  }
0xbd: {  	s0 =	sor.u32 s1, s0  }
0xbe: {  	s0 =	sadd.s32 $0x8F2B, s0  }
0xbf: {  	[sflag:s0] =	ssyncadd.remote.s32 $0x1  }
0xc0: {  	_ =	sfence.sel $0xFFFF  }
0xc1: {  	[dreg:$0x0] =	wrdreg $0xFFFFFFFF;
	(pc) =	sbr.abs _section_cstart, $3  }
0xc2: {  	[dreg:$0x1] =	wrdreg $0xFFFFFFFF  }
0xc3: {  	_ =	task.clear_ibuf [dreg:s8], $0x2FFFF;
	_ =	strace $0x9FFFFFFF  }
0xc4: {  	(tm) =	ssettm $0x7FFFFFFF  }
0xc5: {  	_ =	shalt  }
tec
execute0_lowered:
.L_overlay_start_1:
0x0: {  	(tag) =	ssettag $0x1  }
0x1: {  	s0 =	rddreg [dreg:$0x0]  }
0x2: {  	s1 =	rddreg [dreg:$0x1]  }
0x3: {  	s2 =	rddreg [dreg:$0x2];
	s3 =	simm.s32 $0x0;
	s4 =	srdreg.scid  }
0x4: {  	s5 =	stileid.u32;
	s13 =	simm.s32 $0x18800;
	s14 =	simm.s32 $0x1  }
0x5: {  	s15 =	simm.s32 $0x13900;
	s16 =	simm.s32 $0x2;
	s19 =	simm.s32 $0x3  }
0x6: {  	s20 =	simm.s32 $0x5;
	s21 =	simm.s32 $0x16080;
	s22 =	simm.s32 $0x9C80  }
0x7: {  	s23 =	simm.s32 $0x4;
	s24 =	simm.s32 $0x6;
	s25 =	simm.s32 $0x1C400  }
0x8: {  	s28 =	simm.s32 $0x1D400;
	s29 =	simm.s32 $0x0;
	s9 =	sand.u32 $0x1, s4  }
0x9: {  	s26 =	sshll.u32 s5, $0x1;
	s4 =	sadd.s32 $0x4E2E00, s1;
	s5 =	sadd.s32 $0x50A000, s1  }
0xa: {  	v3 =	vlaneseq.u32;
	s7 =	sadd.s32 $0xAC00, s1;
	s10 =	sor.u32 s9, s26;
	s11 =	ssub.s32 $0x2, s9  }
0xb: {  	v0 =	vand.u32 $0x3, v3;
	s6 =	smul.u32 $0x9C40, s10;
	s30 =	sshrl.u32 s11, $0x1;
	s31 =	sshll.u32 s10, $0x2  }
0xc: {  	s8 =	sadd.s32 $0xE00, s1;
	s9 =	sadd.s32 $0x14A00, s1;
	s1 =	ssub.s32 s11, s30;
	v0 =	vor.u32 s31, v0  }
0xd: {  	[smem:$0x7FF] =	sst s3;
	s12 =	sshrl.u32 s6, $0x3;
	s1 =	smax.u32 s1, $0x1;
	v0 =	vcvt.s32.f32 v0  }
0xe: {  	v1 =	vimm.f32 $0.0e+00;
	_ =	strace $0x80000047;
	s0 =	sadd.s32 s0, s12;
	[dreg:$0x5] =	wrdreg s1  }
0xf: {  	v2 =	vimm.f32 $1.000000000e+00;
	v3 =	vshrl.u32 v3, $0x2;
	s26 =	simm.s32 $0x1CC00;
	s12 =	simm.s32 $0x7;
	[dreg:$0x4] =	wrdreg s0;
	v0 =	vmul.f32 $5.905511980e-01, v0  }
.LBB2_1:
0x10: {  	s0 =	rddreg [dreg:$0x4]  }
0x11: {  	[tilespmem:s3], [sflag:$0x7] =	stream.linear.gather [hbm4b:s0+s3], $0x9C40, $0x38;
	[tilespmem:$0x1DC00] =	vst v63  }
0x12: {  	_ =	swait.ge [sflag:s12], $0x9C40  }
0x13: {  	[sflag:s12] =	ssyncset.done $0x0  }
0x14: {  	s1 =	simm.s32 $0x40;
	s0 =	simm.s32 $0x0;
	[sflag:s12] =	ssyncadd.s32 $0xFFFF63C0  }
.LBB2_2:
0x15: {  	p0 =	sne.s32 s1, $0x270C0;
	v4 =	vld [tilespmem:s0+$0x0];
	[tilespmem:s0+$0x9C80] =	vst v1;
	_ =	sdelay $0x1  }
.Ltmp0:
0x16: {  	(pc) =	sbr.rel @p0 .LBB2_2-.Ltmp0, $3  }
0x17: {  	_ =	sdelay $0x1  }
0x18: {  	v4 =	vmax.f32 v4, $0.0e+00  }
0x19: {  	[tilespmem:s0+$0x0] =	vst v4;
	s0 =	sshra.s32 s1, $0x2;
	s1 =	sadd.s32 $0x40, s1  }
0x1a: {  	v4 =	vld [tilespmem:s0+$0x0];
	_ =	sdelay $0x4  }
0x1b: {  	[tilespmem:s0+$0x9C80] =	vst v1;
	v4 =	vmax.f32 v4, $0.0e+00  }
0x1c: {  	s1 =	simm.s32 $0x0;
	[tilespmem:s0+$0x0] =	vst v4;
	s0 =	simm.s32 $0x40  }
.LBB2_4:
0x1d: {  	p0 =	sne.s32 s0, $0x9C40;
	[tilespmem:s1+$0x13900] =	vst v1;
	s10 =	smov.u32 s0;
	s0 =	sadd.s32 $0x40, s0  }
.Ltmp1:
0x1e: {  	[tilespmem:s1+$0x16080] =	vst v1;
	(pc) =	sbr.rel @p0 .LBB2_4-.Ltmp1, $2  }
0x1f: {  	_ =	sdelay $0x2  }
0x20: {  	s1 =	sshra.s32 s10, $0x2  }
.Ltmp2:
0x21: {  	(pc) =	sbr.rel .LBB2_6-.Ltmp2, $4  }
0x22: {  	_ = 	snop  }
0x23: {  	[tilespmem:s1+$0x13900] =	vst v1  }
0x24: {  	[tilespmem:s1+$0x16080] =	vst v1;
	s0 =	simm.s32 $0x0  }
0x25: {  	[tilespmem:s13], [sflag:$0x1] =	stream.linear.gather [hbm4b:s7+s0], $0xA00, $0x38;
	[tilespmem:$0x1DC00] =	vst v63  }
.LBB2_11:
0x26: {  	s0 =	sadd.s32 $0x1, s0  }
0x27: {  	p0 =	sne.s32 s0, $0x3F  }
.Ltmp3:
0x28: {  	_ = 	snop;
	(pc) =	sbr.rel @!p0 .LBB2_12-.Ltmp3, $1  }
0x29: {  	_ =	sdelay $0x3  }
.LBB2_6:
0x2a: {  	s1 =	sshllo.u32 s0, $0x1  }
0x2b: {  	p0 =	sgt.u32 s1, $0x7C  }
0x2c: {  	s1 =	smul.u32 @!p0 $0x140, s1;
	_ =	sdelay $0x1  }
0x2d: {  	s10 =	simm.s32 @!p0 $0x0;
	s11 =	simm.s32 @!p0 $0x19200;
	s1 =	sadd.s32 @!p0 s7, s1  }
0x2e: {  	[tilespmem:s11], [sflag:$0x2] =	stream.linear.gather @!p0 [hbm4b:s1+s10], $0xA00, $0x38;
	[tilespmem:$0x1DC00] =	vst v63  }
0x2f: {  	_ =	swait.ge [sflag:s14], $0xA00  }
0x30: {  	[sflag:s14] =	ssyncset.done $0x0  }
0x31: {  	s1 =	simm.s32 $0x0;
	[sflag:s14] =	ssyncadd.s32 $0xFFFFF600  }
.LBB2_7:
0x32: {  	s10 =	sshra.s32 s1, $0x2  }
0x33: {  	v4 =	vld [tilespmem:s10+$0x18800];
	_ =	sdelay $0x7  }
0x34: {  	[tilespmem:v4+s15+$0x0] =	vst.idx.add.f32.msk $0xffff, v2  }
0x35: {  	v4 =	vld [tilespmem:s10+$0x18810];
	_ =	sdelay $0x7  }
0x36: {  	[tilespmem:v4+s15+$0x0] =	vst.idx.add.f32.msk $0xffff, v2  }
0x37: {  	v4 =	vld [tilespmem:s10+$0x18820];
	_ =	sdelay $0x7  }
0x38: {  	[tilespmem:v4+s15+$0x0] =	vst.idx.add.f32.msk $0xffff, v2  }
0x39: {  	v4 =	vld [tilespmem:s10+$0x18830];
	_ =	sdelay $0x2  }
0x3a: {  	p1 =	sne.s32 s1, $0x2700  }
.Ltmp4:
0x3b: {  	_ = 	snop;
	(pc) =	sbr.rel @p1 .LBB2_7-.Ltmp4, $2  }
0x3c: {  	_ =	sdelay $0x2  }
0x3d: {  	s1 =	sadd.s32 $0x100, s1;
	[tilespmem:v4+s15+$0x0] =	vst.idx.add.f32.msk $0xffff, v2  }
0x3e: {  	p1 =	seq.s32 s0, $0x3E  }
0x3f: {  	s1 =	smul.u32 @!p1 $0x1400, s0  }
.Ltmp5:
0x40: {  	_ = 	snop;
	(pc) =	sbr.rel @p0 .LBB2_11-.Ltmp5, $4  }
0x41: {  	s1 =	sshrl.u32 @!p1 s1, $0x3  }
0x42: {  	s1 =	sadd.s32 @!p1 s7, s1  }
0x43: {  	s10 =	simm.s32 @!p1 $0x0;
	s11 =	simm.s32 @!p1 $0x18800;
	s1 =	sadd.s32 @!p1 $0x280, s1  }
0x44: {  	[tilespmem:s11], [sflag:$0x1] =	stream.linear.gather @!p1 [hbm4b:s1+s10], $0xA00, $0x38;
	[tilespmem:$0x1DC00] =	vst v63  }
0x45: {  	_ =	swait.ge [sflag:s16], $0xA00  }
0x46: {  	[sflag:s16] =	ssyncset.done $0x0  }
0x47: {  	s1 =	simm.s32 $0x0;
	s10 =	simm.s32 $0x19230;
	[sflag:s16] =	ssyncadd.s32 $0xFFFFF600  }
.LBB2_10:
0x48: {  	s11 =	sand.u32 $0xFC0, s1  }
0x49: {  	v4 =	vld [tilespmem:s11+$0x19200];
	_ =	sdelay $0x7  }
0x4a: {  	[tilespmem:v4+s15+$0x0] =	vst.idx.add.f32.msk $0xffff, v2  }
0x4b: {  	v4 =	vld [tilespmem:s10+$0xFFFFFFE0];
	_ =	sdelay $0x7  }
0x4c: {  	[tilespmem:v4+s15+$0x0] =	vst.idx.add.f32.msk $0xffff, v2  }
0x4d: {  	v4 =	vld [tilespmem:s10+$0xFFFFFFF0];
	_ =	sdelay $0x7  }
0x4e: {  	[tilespmem:v4+s15+$0x0] =	vst.idx.add.f32.msk $0xffff, v2  }
0x4f: {  	v4 =	vld [tilespmem:s10+$0x0];
	_ =	sdelay $0x2  }
0x50: {  	p0 =	sne.s32 s1, $0x9C0  }
.Ltmp6:
0x51: {  	_ = 	snop;
	(pc) =	sbr.rel @p0 .LBB2_10-.Ltmp6, $2  }
0x52: {  	_ =	sdelay $0x2  }
0x53: {  	s1 =	sadd.s32 $0x40, s1;
	s10 =	sadd.s32 $0x40, s10;
	[tilespmem:v4+s15+$0x0] =	vst.idx.add.f32.msk $0xffff, v2  }
.Ltmp7:
0x54: {  	_ = 	snop;
	(pc) =	sbr.rel .LBB2_11-.Ltmp7, $1  }
0x55: {  	_ =	sdelay $0x3  }
.LBB2_12:
0x56: {  	s0 =	simm.s32 $0x0;
	s1 =	simm.s32 $0x40  }
.LBB2_13:
0x57: {  	p0 =	sne.s32 s1, $0x9C00;
	v4 =	vld [tilespmem:s0+$0x13900];
	_ =	sdelay $0x4  }
0x58: {  	(erf) = vrcp.f32 v4;
	_ =	sdelay $0x5  }
.Ltmp8:
0x59: {  	(pc) =	sbr.rel @p0 .LBB2_13-.Ltmp8, $3  }
0x5a: {  	_ =	sdelay $0x1  }
0x5b: {  	v4 =	vpop (erf)  }
0x5c: {  	[tilespmem:s0+$0x13900] =	vst v4;
	s0 =	sshra.s32 s1, $0x2;
	s1 =	sadd.s32 $0x40, s1  }
0x5d: {  	v4 =	vld [tilespmem:s0+$0x13900];
	_ =	sdelay $0x4  }
0x5e: {  	(erf) = vrcp.f32 v4;
	_ =	sdelay $0x8  }
0x5f: {  	v4 =	vpop (erf)  }
0x60: {  	s30 =	simm.s32 $0x0;
	[tilespmem:s0+$0x13900] =	vst v4  }
0x61: {  	[tilespmem:s13], [sflag:$0x1] =	stream.linear.gather [hbm4b:s7+s30], $0xA00, $0x38;
	[tilespmem:$0x1DC00] =	vst v63  }
.Ltmp9:
0x62: {  	_ = 	snop;
	(pc) =	sbr.rel .LBB2_15-.Ltmp9, $4  }
0x63: {  	s18 =	simm.s32 $0x19C00  }
0x64: {  	[tilespmem:s18], [sflag:$0x3] =	stream.linear.gather [hbm4b:s8+s30], $0xA00, $0x38;
	[tilespmem:$0x1DC00] =	vst v63  }
0x65: {  	s31 =	simm.s32 $0x1B000  }
0x66: {  	[tilespmem:s31], [sflag:$0x5] =	stream.linear.gather [hbm4b:s2+s30], $0xA00, $0x38;
	[tilespmem:$0x1DC00] =	vst v63  }
.LBB2_21:
0x67: {  	s30 =	sadd.s32 $0x1, s30  }
0x68: {  	p0 =	sne.s32 s30, $0x3F  }
.Ltmp10:
0x69: {  	_ = 	snop;
	(pc) =	sbr.rel @!p0 .LBB2_22-.Ltmp10, $1  }
0x6a: {  	_ =	sdelay $0x3  }
.LBB2_15:
0x6b: {  	s0 =	sshllo.u32 s30, $0x1  }
0x6c: {  	p0 =	sgt.u32 s0, $0x7C  }
0x6d: {  	s0 =	smul.u32 @!p0 $0x140, s0;
	_ =	sdelay $0x1  }
0x6e: {  	s10 =	simm.s32 @!p0 $0x0;
	s11 =	simm.s32 @!p0 $0x19200;
	s1 =	sadd.s32 @!p0 s7, s0  }
0x6f: {  	[tilespmem:s11], [sflag:$0x2] =	stream.linear.gather @!p0 [hbm4b:s1+s10], $0xA00, $0x38;
	[tilespmem:$0x1DC00] =	vst v63  }
0x70: {  	s1 =	sadd.s32 @!p0 s8, s0;
	s11 =	simm.s32 @!p0 $0x1A600  }
0x71: {  	[tilespmem:s11], [sflag:$0x4] =	stream.linear.gather @!p0 [hbm4b:s1+s10], $0xA00, $0x38;
	[tilespmem:$0x1DC00] =	vst v63  }
0x72: {  	s0 =	sadd.s32 @!p0 s2, s0;
	s1 =	simm.s32 @!p0 $0x1BA00  }
0x73: {  	[tilespmem:s1], [sflag:$0x6] =	stream.linear.gather @!p0 [hbm4b:s0+s10], $0xA00, $0x38;
	[tilespmem:$0x1DC00] =	vst v63  }
0x74: {  	_ =	swait.ge [sflag:s14], $0xA00  }
0x75: {  	[sflag:s14] =	ssyncset.done $0x0  }
0x76: {  	[sflag:s14] =	ssyncadd.s32 $0xFFFFF600  }
0x77: {  	_ =	swait.ge [sflag:s19], $0xA00  }
0x78: {  	[sflag:s19] =	ssyncset.done $0x0  }
0x79: {  	[sflag:s19] =	ssyncadd.s32 $0xFFFFF600  }
0x7a: {  	_ =	swait.ge [sflag:s20], $0xA00  }
0x7b: {  	[sflag:s20] =	ssyncset.done $0x0  }
0x7c: {  	s31 =	simm.s32 $0x0;
	[sflag:s20] =	ssyncadd.s32 $0xFFFFF600  }
0x7d: {  	v4 =	vld [tilespmem:s31+$0x18810]  }
0x7e: {  	v29 =	vld [tilespmem:s31+$0x19C00]  }
0x7f: {  	v30 =	vld [tilespmem:s31+$0x18800];
	_ =	sdelay $0x1  }
0x80: {  	v8 =	vld [tilespmem:s31+$0x19C10];
	_ =	sdelay $0x1  }
0x81: {  	v5 =	vshll.u32 v4, $0x2  }
0x82: {  	v27 =	vld [tilespmem:s31+$0x1B000];
	v32 =	vshll.u32 v29, $0x2  }
0x83: {  	v17 =	vld [tilespmem:s31+$0x1B010];
	v33 =	vshll.u32 v30, $0x2  }
0x84: {  	v13 =	vshll.u32 v8, $0x2;
	v19 =	vld.idx.msk [tilespmem:v4+s15+$0x0], $0xffff  }
0x85: {  	v12 =	vor.u32 $0x3, v32;
	v28 =	vld.idx.msk [tilespmem:v30+s15+$0x0], $0xffff  }
0x86: {  	v14 =	vor.u32 $0x2, v32;
	v16 =	vld.idx.msk [tilespmem:v5+s3+$0x0], $0xffff  }
0x87: {  	v18 =	vor.u32 $0x3, v33;
	v31 =	vld.idx.msk [tilespmem:v32+s3+$0x0], $0xffff  }
0x88: {  	v6 =	vor.u32 $0x3, v5;
	v37 =	vld.idx.msk [tilespmem:v33+s3+$0x0], $0xffff  }
0x89: {  	v20 =	vor.u32 $0x2, v33;
	v25 =	vld.idx.msk [tilespmem:v13+s3+$0x0], $0xffff  }
0x8a: {  	v36 =	vor.u32 $0x1, v33;
	v34 =	vld.idx.msk [tilespmem:v12+s3+$0x0], $0xffff  }
0x8b: {  	v9 =	vor.u32 $0x3, v13;
	v35 =	vld.idx.msk [tilespmem:v14+s3+$0x0], $0xffff  }
0x8c: {  	v22 =	vor.u32 $0x1, v32;
	v38 =	vld.idx.msk [tilespmem:v18+s3+$0x0], $0xffff  }
0x8d: {  	v7 =	vor.u32 $0x2, v5;
	v21 =	vld.idx.msk [tilespmem:v6+s3+$0x0], $0xffff  }
0x8e: {  	v10 =	vor.u32 $0x1, v5;
	v39 =	vld.idx.msk [tilespmem:v20+s3+$0x0], $0xffff  }
0x8f: {  	v11 =	vor.u32 $0x2, v13;
	v40 =	vld.idx.msk [tilespmem:v36+s3+$0x0], $0xffff  }
0x90: {  	v15 =	vor.u32 $0x1, v13;
	v23 =	vld.idx.msk [tilespmem:v9+s3+$0x0], $0xffff  }
0x91: {  	v41 =	vld.idx.msk [tilespmem:v22+s3+$0x0], $0xffff  }
0x92: {  	v24 =	vld.idx.msk [tilespmem:v7+s3+$0x0], $0xffff  }
0x93: {  	v26 =	vld.idx.msk [tilespmem:v10+s3+$0x0], $0xffff  }
0x94: {  	v42 =	vmul.f32 v28, v27;
	v27 =	vld.idx.msk [tilespmem:v11+s3+$0x0], $0xffff  }
0x95: {  	v28 =	vld.idx.msk [tilespmem:v15+s3+$0x0], $0xffff  }
0x96: {  	v43 =	vmul.f32 v31, v42;
	[tilespmem:v30+s21+$0x0] =	vst.idx.add.f32.msk $0xffff, v42  }
0x97: {  	v37 =	vmul.f32 v37, v42;
	[tilespmem:v29+s21+$0x0] =	vst.idx.add.f32.msk $0xffff, v42  }
0x98: {  	v31 =	vmul.f32 v35, v42;
	v63 =	vmul.f32 v41, v42;
	[tilespmem:v33+s22+$0x0] =	vst.idx.add.f32.msk $0xffff, v43  }
0x99: {  	v29 =	vmul.f32 v34, v42;
	v33 =	vmul.f32 v40, v42;
	[tilespmem:v32+s22+$0x0] =	vst.idx.add.f32.msk $0xffff, v37  }
0x9a: {  	s0 =	simm.s32 $0x80;
	v30 =	vmul.f32 v38, v42;
	v32 =	vmul.f32 v39, v42;
	[tilespmem:v36+s22+$0x0] =	vst.idx.add.f32.msk $0xffff, v63  }
.LBB2_16:
0x9b: {  	s1 =	sshra.s32 s0, $0x2;
	p1 =	sne.s32 s0, $0x2780;
	s0 =	sadd.s32 $0x80, s0;
	[tilespmem:v22+s22+$0x0] =	vst.idx.add.f32.msk $0xffff, v33  }
0x9c: {  	[tilespmem:v20+s22+$0x0] =	vst.idx.add.f32.msk $0xffff, v31  }
0x9d: {  	v17 =	vmul.f32 v19, v17;
	[tilespmem:v14+s22+$0x0] =	vst.idx.add.f32.msk $0xffff, v32  }
0x9e: {  	[tilespmem:v18+s22+$0x0] =	vst.idx.add.f32.msk $0xffff, v29  }
0x9f: {  	v14 =	vmul.f32 v16, v17;
	[tilespmem:v12+s22+$0x0] =	vst.idx.add.f32.msk $0xffff, v30;
	v12 =	vmul.f32 v25, v17  }
0xa0: {  	[tilespmem:v4+s21+$0x0] =	vst.idx.add.f32.msk $0xffff, v17;
	v4 =	vmul.f32 v21, v17  }
0xa1: {  	[tilespmem:v8+s21+$0x0] =	vst.idx.add.f32.msk $0xffff, v17;
	v8 =	vmul.f32 v28, v17  }
0xa2: {  	[tilespmem:v5+s22+$0x0] =	vst.idx.add.f32.msk $0xffff, v12;
	v5 =	vmul.f32 v26, v17  }
0xa3: {  	v12 =	vmul.f32 v27, v17;
	[tilespmem:v13+s22+$0x0] =	vst.idx.add.f32.msk $0xffff, v14  }
0xa4: {  	[tilespmem:v10+s22+$0x0] =	vst.idx.add.f32.msk $0xffff, v8;
	v8 =	vmul.f32 v24, v17  }
0xa5: {  	[tilespmem:v15+s22+$0x0] =	vst.idx.add.f32.msk $0xffff, v5;
	v5 =	vmul.f32 v23, v17  }
0xa6: {  	[tilespmem:v7+s22+$0x0] =	vst.idx.add.f32.msk $0xffff, v12  }
0xa7: {  	[tilespmem:v11+s22+$0x0] =	vst.idx.add.f32.msk $0xffff, v8  }
0xa8: {  	[tilespmem:v6+s22+$0x0] =	vst.idx.add.f32.msk $0xffff, v5  }
0xa9: {  	[tilespmem:v9+s22+$0x0] =	vst.idx.add.f32.msk $0xffff, v4  }
0xaa: {  	v4 =	vld [tilespmem:s1+$0x18810]  }
0xab: {  	v34 =	vld [tilespmem:s1+$0x19C00];
	_ =	sdelay $0x1  }
0xac: {  	v35 =	vld [tilespmem:s1+$0x18800]  }
0xad: {  	v23 =	vld [tilespmem:s1+$0x1B000]  }
0xae: {  	v8 =	vld [tilespmem:s1+$0x19C10];
	v5 =	vshll.u32 v4, $0x2  }
0xaf: {  	v36 =	vshll.u32 v34, $0x2;
	v10 =	vor.u32 $0x1, v5;
	v7 =	vor.u32 $0x2, v5  }
0xb0: {  	v22 =	vor.u32 $0x1, v36;
	v14 =	vor.u32 $0x2, v36;
	v12 =	vor.u32 $0x3, v36  }
0xb1: {  	v37 =	vshll.u32 v35, $0x2;
	v17 =	vld [tilespmem:s1+$0x1B010]  }
0xb2: {  	v20 =	vor.u32 $0x2, v37;
	v18 =	vor.u32 $0x3, v37;
	v19 =	vld.idx.msk [tilespmem:v4+s15+$0x0], $0xffff  }
0xb3: {  	v6 =	vor.u32 $0x3, v5;
	v13 =	vshll.u32 v8, $0x2;
	v16 =	vld.idx.msk [tilespmem:v5+s3+$0x0], $0xffff  }
0xb4: {  	v24 =	vld.idx.msk [tilespmem:v35+s15+$0x0], $0xffff;
	v15 =	vor.u32 $0x1, v13;
	v11 =	vor.u32 $0x2, v13;
	v9 =	vor.u32 $0x3, v13  }
0xb5: {  	v26 =	vld.idx.msk [tilespmem:v12+s3+$0x0], $0xffff  }
0xb6: {  	v38 =	vor.u32 $0x1, v37;
	v27 =	vld.idx.msk [tilespmem:v36+s3+$0x0], $0xffff  }
0xb7: {  	v28 =	vld.idx.msk [tilespmem:v14+s3+$0x0], $0xffff  }
0xb8: {  	v29 =	vld.idx.msk [tilespmem:v37+s3+$0x0], $0xffff  }
0xb9: {  	v30 =	vld.idx.msk [tilespmem:v18+s3+$0x0], $0xffff  }
0xba: {  	v21 =	vld.idx.msk [tilespmem:v6+s3+$0x0], $0xffff  }
0xbb: {  	v32 =	vld.idx.msk [tilespmem:v20+s3+$0x0], $0xffff  }
0xbc: {  	v39 =	vmul.f32 v24, v23;
	v25 =	vld.idx.msk [tilespmem:v13+s3+$0x0], $0xffff  }
0xbd: {  	v33 =	vld.idx.msk [tilespmem:v38+s3+$0x0], $0xffff  }
0xbe: {  	v40 =	vmul.f32 v27, v39;
	v41 =	vmul.f32 v29, v39;
	v23 =	vld.idx.msk [tilespmem:v9+s3+$0x0], $0xffff  }
0xbf: {  	v31 =	vmul.f32 v28, v39;
	v29 =	vmul.f32 v26, v39;
	v42 =	vld.idx.msk [tilespmem:v22+s3+$0x0], $0xffff  }
0xc0: {  	v30 =	vmul.f32 v30, v39;
	v24 =	vld.idx.msk [tilespmem:v7+s3+$0x0], $0xffff  }
0xc1: {  	v32 =	vmul.f32 v32, v39;
	v26 =	vld.idx.msk [tilespmem:v10+s3+$0x0], $0xffff  }
0xc2: {  	v27 =	vld.idx.msk [tilespmem:v11+s3+$0x0], $0xffff  }
0xc3: {  	v33 =	vmul.f32 v33, v39;
	v28 =	vld.idx.msk [tilespmem:v15+s3+$0x0], $0xffff  }
.Ltmp11:
0xc4: {  	[tilespmem:v35+s21+$0x0] =	vst.idx.add.f32.msk $0xffff, v39;
	(pc) =	sbr.rel @p1 .LBB2_16-.Ltmp11, $4  }
0xc5: {  	[tilespmem:v34+s21+$0x0] =	vst.idx.add.f32.msk $0xffff, v39;
	v34 =	vmul.f32 v42, v39  }
0xc6: {  	[tilespmem:v37+s22+$0x0] =	vst.idx.add.f32.msk $0xffff, v40  }
0xc7: {  	[tilespmem:v36+s22+$0x0] =	vst.idx.add.f32.msk $0xffff, v41  }
0xc8: {  	[tilespmem:v38+s22+$0x0] =	vst.idx.add.f32.msk $0xffff, v34  }
0xc9: {  	_ =	sdelay $0x3  }
0xca: {  	[tilespmem:v22+s22+$0x0] =	vst.idx.add.f32.msk $0xffff, v33  }
0xcb: {  	[tilespmem:v20+s22+$0x0] =	vst.idx.add.f32.msk $0xffff, v31  }
0xcc: {  	[tilespmem:v14+s22+$0x0] =	vst.idx.add.f32.msk $0xffff, v32  }
0xcd: {  	v60 =	vmul.f32 v19, v17;
	[tilespmem:v18+s22+$0x0] =	vst.idx.add.f32.msk $0xffff, v29  }
0xce: {  	[tilespmem:v12+s22+$0x0] =	vst.idx.add.f32.msk $0xffff, v30  }
0xcf: {  	v61 =	vmul.f32 v25, v60;
	[tilespmem:v4+s21+$0x0] =	vst.idx.add.f32.msk $0xffff, v60  }
0xd0: {  	v4 =	vmul.f32 v16, v60;
	[tilespmem:v8+s21+$0x0] =	vst.idx.add.f32.msk $0xffff, v60  }
0xd1: {  	v62 =	vmul.f32 v28, v60;
	[tilespmem:v5+s22+$0x0] =	vst.idx.add.f32.msk $0xffff, v61  }
0xd2: {  	v5 =	vmul.f32 v26, v60;
	[tilespmem:v13+s22+$0x0] =	vst.idx.add.f32.msk $0xffff, v4  }
0xd3: {  	p1 =	seq.s32 s30, $0x3E;
	v4 =	vmul.f32 v27, v60;
	[tilespmem:v10+s22+$0x0] =	vst.idx.add.f32.msk $0xffff, v62  }
0xd4: {  	s0 =	smul.u32 @!p1 $0x1400, s30;
	v63 =	vmul.f32 v24, v60;
	[tilespmem:v15+s22+$0x0] =	vst.idx.add.f32.msk $0xffff, v5  }
0xd5: {  	v5 =	vmul.f32 v23, v60;
	[tilespmem:v7+s22+$0x0] =	vst.idx.add.f32.msk $0xffff, v4  }
0xd6: {  	s0 =	sshrl.u32 @!p1 s0, $0x3;
	v4 =	vmul.f32 v21, v60;
	[tilespmem:v11+s22+$0x0] =	vst.idx.add.f32.msk $0xffff, v63  }
0xd7: {  	s0 =	sadd.s32 @!p1 $0x280, s0;
	[tilespmem:v6+s22+$0x0] =	vst.idx.add.f32.msk $0xffff, v5  }
0xd8: {  	s10 =	simm.s32 @!p1 $0x0;
	s11 =	simm.s32 @!p1 $0x18800;
	s1 =	sadd.s32 @!p1 s7, s0;
	[tilespmem:v9+s22+$0x0] =	vst.idx.add.f32.msk $0xffff, v4  }
0xd9: {  	[tilespmem:s11], [sflag:$0x1] =	stream.linear.gather @!p1 [hbm4b:s1+s10], $0xA00, $0x38;
	[tilespmem:$0x1DC00] =	vst v63  }
.Ltmp12:
0xda: {  	_ = 	snop;
	(pc) =	sbr.rel @p0 .LBB2_21-.Ltmp12, $4  }
0xdb: {  	s1 =	sadd.s32 @!p1 s8, s0;
	s11 =	simm.s32 @!p1 $0x19C00  }
0xdc: {  	[tilespmem:s11], [sflag:$0x3] =	stream.linear.gather @!p1 [hbm4b:s1+s10], $0xA00, $0x38;
	[tilespmem:$0x1DC00] =	vst v63  }
0xdd: {  	s0 =	sadd.s32 @!p1 s2, s0;
	s1 =	simm.s32 @!p1 $0x1B000  }
0xde: {  	[tilespmem:s1], [sflag:$0x5] =	stream.linear.gather @!p1 [hbm4b:s0+s10], $0xA00, $0x38;
	[tilespmem:$0x1DC00] =	vst v63  }
0xdf: {  	_ =	swait.ge [sflag:s16], $0xA00  }
0xe0: {  	[sflag:s16] =	ssyncset.done $0x0  }
0xe1: {  	[sflag:s16] =	ssyncadd.s32 $0xFFFFF600  }
0xe2: {  	_ =	swait.ge [sflag:s23], $0xA00  }
0xe3: {  	[sflag:s23] =	ssyncset.done $0x0  }
0xe4: {  	[sflag:s23] =	ssyncadd.s32 $0xFFFFF600  }
0xe5: {  	_ =	swait.ge [sflag:s24], $0xA00  }
0xe6: {  	s0 =	simm.s32 $0x0;
	[sflag:s24] =	ssyncset.done $0x0  }
0xe7: {  	s0 =	sand.u32 $0xFE0, s0;
	[sflag:s24] =	ssyncadd.s32 $0xFFFFF600  }
0xe8: {  	v10 =	vld [tilespmem:s0+$0x19200]  }
0xe9: {  	s1 =	simm.s32 $0x19210;
	v12 =	vld [tilespmem:s0+$0x1A600]  }
0xea: {  	s31 =	simm.s32 $0x1A610;
	v14 =	vld [tilespmem:s1+$0x0]  }
0xeb: {  	v11 =	vld [tilespmem:s31+$0x0];
	_ =	sdelay $0x2  }
0xec: {  	v13 =	vshll.u32 v10, $0x2  }
0xed: {  	s18 =	simm.s32 $0x1BA10;
	v16 =	vld [tilespmem:s0+$0x1BA00];
	v21 =	vshll.u32 v12, $0x2  }
0xee: {  	v19 =	vld [tilespmem:s18+$0x0];
	v18 =	vshll.u32 v11, $0x2  }
0xef: {  	v23 =	vshll.u32 v14, $0x2;
	v20 =	vld.idx.msk [tilespmem:v10+s15+$0x0], $0xffff  }
0xf0: {  	v15 =	vor.u32 $0x3, v13;
	v29 =	vld.idx.msk [tilespmem:v14+s15+$0x0], $0xffff  }
0xf1: {  	v17 =	vor.u32 $0x2, v13;
	v22 =	vld.idx.msk [tilespmem:v13+s3+$0x0], $0xffff  }
0xf2: {  	v4 =	vor.u32 $0x3, v18;
	v27 =	vld.idx.msk [tilespmem:v21+s3+$0x0], $0xffff  }
0xf3: {  	v8 =	vor.u32 $0x2, v23;
	v28 =	vld.idx.msk [tilespmem:v18+s3+$0x0], $0xffff  }
0xf4: {  	v5 =	vor.u32 $0x2, v18;
	v32 =	vld.idx.msk [tilespmem:v23+s3+$0x0], $0xffff  }
0xf5: {  	v6 =	vor.u32 $0x3, v23;
	v24 =	vld.idx.msk [tilespmem:v15+s3+$0x0], $0xffff  }
0xf6: {  	v9 =	vor.u32 $0x1, v23;
	v25 =	vld.idx.msk [tilespmem:v17+s3+$0x0], $0xffff  }
0xf7: {  	v7 =	vor.u32 $0x1, v18;
	v26 =	vld.idx.msk [tilespmem:v4+s3+$0x0], $0xffff  }
0xf8: {  	v31 =	vor.u32 $0x1, v21;
	v30 =	vld.idx.msk [tilespmem:v8+s3+$0x0], $0xffff  }
0xf9: {  	v33 =	vor.u32 $0x1, v13;
	v34 =	vld.idx.msk [tilespmem:v5+s3+$0x0], $0xffff  }
0xfa: {  	v35 =	vor.u32 $0x2, v21;
	v36 =	vld.idx.msk [tilespmem:v6+s3+$0x0], $0xffff  }
0xfb: {  	v37 =	vor.u32 $0x3, v21;
	v38 =	vld.idx.msk [tilespmem:v9+s3+$0x0], $0xffff  }
0xfc: {  	v39 =	vld.idx.msk [tilespmem:v7+s3+$0x0], $0xffff  }
0xfd: {  	v40 =	vld.idx.msk [tilespmem:v31+s3+$0x0], $0xffff  }
0xfe: {  	v41 =	vld.idx.msk [tilespmem:v33+s3+$0x0], $0xffff  }
0xff: {  	v63 =	vld.idx.msk [tilespmem:v35+s3+$0x0], $0xffff;
	v16 =	vmul.f32 v20, v16  }
0x100: {  	v42 =	vld.idx.msk [tilespmem:v37+s3+$0x0], $0xffff  }
0x101: {  	[tilespmem:v10+s21+$0x0] =	vst.idx.add.f32.msk $0xffff, v16;
	v10 =	vmul.f32 v27, v16  }
0x102: {  	v22 =	vmul.f32 v22, v16;
	[tilespmem:v12+s21+$0x0] =	vst.idx.add.f32.msk $0xffff, v16  }
0x103: {  	[tilespmem:v13+s22+$0x0] =	vst.idx.add.f32.msk $0xffff, v10;
	v10 =	vmul.f32 v40, v16  }
0x104: {  	v12 =	vmul.f32 v41, v16;
	[tilespmem:v21+s22+$0x0] =	vst.idx.add.f32.msk $0xffff, v22  }
0x105: {  	[tilespmem:v33+s22+$0x0] =	vst.idx.add.f32.msk $0xffff, v10;
	v10 =	vmul.f32 v63, v16  }
0x106: {  	v13 =	vmul.f32 v25, v16;
	[tilespmem:v31+s22+$0x0] =	vst.idx.add.f32.msk $0xffff, v12  }
0x107: {  	[tilespmem:v17+s22+$0x0] =	vst.idx.add.f32.msk $0xffff, v10;
	v10 =	vmul.f32 v42, v16  }
0x108: {  	v12 =	vmul.f32 v24, v16;
	[tilespmem:v35+s22+$0x0] =	vst.idx.add.f32.msk $0xffff, v13  }
0x109: {  	v13 =	vmul.f32 v29, v19;
	[tilespmem:v15+s22+$0x0] =	vst.idx.add.f32.msk $0xffff, v10  }
0x10a: {  	[tilespmem:v37+s22+$0x0] =	vst.idx.add.f32.msk $0xffff, v12  }
0x10b: {  	v12 =	vmul.f32 v28, v13;
	v10 =	vmul.f32 v38, v13;
	[tilespmem:v14+s21+$0x0] =	vst.idx.add.f32.msk $0xffff, v13  }
0x10c: {  	v15 =	vmul.f32 v39, v13;
	v14 =	vmul.f32 v32, v13;
	[tilespmem:v11+s21+$0x0] =	vst.idx.add.f32.msk $0xffff, v13  }
0x10d: {  	v11 =	vmul.f32 v34, v13;
	[tilespmem:v23+s22+$0x0] =	vst.idx.add.f32.msk $0xffff, v12;
	v12 =	vmul.f32 v30, v13  }
0x10e: {  	s10 =	simm.s32 $0x20;
	s0 =	simm.s32 $0x19230;
	s1 =	simm.s32 $0x1BA30;
	[tilespmem:v18+s22+$0x0] =	vst.idx.add.f32.msk $0xffff, v14;
	v14 =	vmul.f32 v26, v13;
	v13 =	vmul.f32 v36, v13  }
.LBB2_19:
0x10f: {  	s11 =	sand.u32 $0xFE0, s10  }
0x110: {  	[tilespmem:v9+s22+$0x0] =	vst.idx.add.f32.msk $0xffff, v15;
	s31 =	sadd.s32 $0x20, s31;
	s13 =	smov.u32 s10;
	s17 =	sadd.s32 $0x20, s10  }
0x111: {  	p0 =	sne.s32 s10, $0x9E0;
	[tilespmem:v7+s22+$0x0] =	vst.idx.add.f32.msk $0xffff, v10  }
0x112: {  	[tilespmem:v8+s22+$0x0] =	vst.idx.add.f32.msk $0xffff, v11  }
0x113: {  	[tilespmem:v5+s22+$0x0] =	vst.idx.add.f32.msk $0xffff, v12  }
0x114: {  	[tilespmem:v6+s22+$0x0] =	vst.idx.add.f32.msk $0xffff, v14  }
0x115: {  	[tilespmem:v4+s22+$0x0] =	vst.idx.add.f32.msk $0xffff, v13  }
0x116: {  	v10 =	vld [tilespmem:s11+$0x19200]  }
0x117: {  	v11 =	vld [tilespmem:s11+$0x1A600]  }
0x118: {  	v12 =	vld [tilespmem:s31+$0x0];
	_ =	sdelay $0x1  }
0x119: {  	v13 =	vld [tilespmem:s11+$0x1BA00]  }
0x11a: {  	v14 =	vshll.u32 v10, $0x2;
	v15 =	vld [tilespmem:s0+$0x0]  }
0x11b: {  	v16 =	vor.u32 $0x1, v14;
	v17 =	vor.u32 $0x3, v14  }
0x11c: {  	v18 =	vor.u32 $0x2, v14;
	v19 =	vshll.u32 v12, $0x2  }
0x11d: {  	v20 =	vld [tilespmem:s1+$0x0];
	v7 =	vor.u32 $0x1, v19;
	v5 =	vor.u32 $0x2, v19;
	v4 =	vor.u32 $0x3, v19  }
0x11e: {  	v22 =	vshll.u32 v11, $0x2;
	v21 =	vld.idx.msk [tilespmem:v10+s15+$0x0], $0xffff  }
0x11f: {  	v23 =	vld.idx.msk [tilespmem:v14+s3+$0x0], $0xffff;
	v24 =	vshll.u32 v15, $0x2  }
0x120: {  	v25 =	vld.idx.msk [tilespmem:v17+s3+$0x0], $0xffff;
	v9 =	vor.u32 $0x1, v24;
	v6 =	vor.u32 $0x3, v24  }
0x121: {  	v8 =	vor.u32 $0x2, v24;
	v26 =	vld.idx.msk [tilespmem:v18+s3+$0x0], $0xffff  }
0x122: {  	v27 =	vld.idx.msk [tilespmem:v4+s3+$0x0], $0xffff  }
0x123: {  	v28 =	vld.idx.msk [tilespmem:v22+s3+$0x0], $0xffff  }
0x124: {  	v29 =	vld.idx.msk [tilespmem:v19+s3+$0x0], $0xffff  }
0x125: {  	v30 =	vld.idx.msk [tilespmem:v15+s15+$0x0], $0xffff  }
0x126: {  	v31 =	vld.idx.msk [tilespmem:v8+s3+$0x0], $0xffff  }
0x127: {  	v32 =	vor.u32 $0x1, v22;
	v33 =	vld.idx.msk [tilespmem:v24+s3+$0x0], $0xffff  }
0x128: {  	v34 =	vld.idx.msk [tilespmem:v5+s3+$0x0], $0xffff  }
0x129: {  	v35 =	vor.u32 $0x2, v22;
	v36 =	vld.idx.msk [tilespmem:v6+s3+$0x0], $0xffff  }
0x12a: {  	v37 =	vor.u32 $0x3, v22;
	v38 =	vld.idx.msk [tilespmem:v9+s3+$0x0], $0xffff  }
0x12b: {  	v39 =	vld.idx.msk [tilespmem:v7+s3+$0x0], $0xffff  }
0x12c: {  	v40 =	vld.idx.msk [tilespmem:v32+s3+$0x0], $0xffff  }
0x12d: {  	v41 =	vld.idx.msk [tilespmem:v16+s3+$0x0], $0xffff  }
0x12e: {  	v13 =	vmul.f32 v21, v13;
	v21 =	vld.idx.msk [tilespmem:v35+s3+$0x0], $0xffff  }
0x12f: {  	v42 =	vld.idx.msk [tilespmem:v37+s3+$0x0], $0xffff  }
0x130: {  	v23 =	vmul.f32 v23, v13;
	[tilespmem:v10+s21+$0x0] =	vst.idx.add.f32.msk $0xffff, v13;
	v10 =	vmul.f32 v28, v13  }
0x131: {  	v25 =	vmul.f32 v25, v13;
	[tilespmem:v11+s21+$0x0] =	vst.idx.add.f32.msk $0xffff, v13;
	v11 =	vmul.f32 v26, v13  }
0x132: {  	[tilespmem:v14+s22+$0x0] =	vst.idx.add.f32.msk $0xffff, v10;
	v10 =	vmul.f32 v40, v13  }
0x133: {  	v14 =	vmul.f32 v41, v13;
	[tilespmem:v22+s22+$0x0] =	vst.idx.add.f32.msk $0xffff, v23  }
0x134: {  	[tilespmem:v16+s22+$0x0] =	vst.idx.add.f32.msk $0xffff, v10;
	v10 =	vmul.f32 v21, v13  }
0x135: {  	[tilespmem:v32+s22+$0x0] =	vst.idx.add.f32.msk $0xffff, v14  }
0x136: {  	[tilespmem:v18+s22+$0x0] =	vst.idx.add.f32.msk $0xffff, v10;
	v10 =	vmul.f32 v42, v13  }
0x137: {  	[tilespmem:v35+s22+$0x0] =	vst.idx.add.f32.msk $0xffff, v11  }
0x138: {  	v13 =	vmul.f32 v30, v20;
	[tilespmem:v17+s22+$0x0] =	vst.idx.add.f32.msk $0xffff, v10  }
.Ltmp13:
0x139: {  	[tilespmem:v37+s22+$0x0] =	vst.idx.add.f32.msk $0xffff, v25;
	(pc) =	sbr.rel @p0 .LBB2_19-.Ltmp13, $4  }
0x13a: {  	v14 =	vmul.f32 v29, v13;
	v10 =	vmul.f32 v38, v13;
	[tilespmem:v15+s21+$0x0] =	vst.idx.add.f32.msk $0xffff, v13  }
0x13b: {  	v16 =	vmul.f32 v33, v13;
	v11 =	vmul.f32 v34, v13;
	[tilespmem:v12+s21+$0x0] =	vst.idx.add.f32.msk $0xffff, v13  }
0x13c: {  	v15 =	vmul.f32 v39, v13;
	v12 =	vmul.f32 v31, v13;
	[tilespmem:v24+s22+$0x0] =	vst.idx.add.f32.msk $0xffff, v14  }
0x13d: {  	s10 =	smov.u32 s17;
	s0 =	sadd.s32 $0x20, s0;
	s1 =	sadd.s32 $0x20, s1;
	v14 =	vmul.f32 v27, v13;
	v13 =	vmul.f32 v36, v13;
	[tilespmem:v19+s22+$0x0] =	vst.idx.add.f32.msk $0xffff, v16  }
0x13e: {  	_ =	sdelay $0x3  }
0x13f: {  	[tilespmem:v9+s22+$0x0] =	vst.idx.add.f32.msk $0xffff, v15  }
.Ltmp14:
0x140: {  	[tilespmem:v7+s22+$0x0] =	vst.idx.add.f32.msk $0xffff, v10;
	(pc) =	sbr.rel .LBB2_21-.Ltmp14, $4  }
0x141: {  	[tilespmem:v8+s22+$0x0] =	vst.idx.add.f32.msk $0xffff, v11  }
0x142: {  	[tilespmem:v5+s22+$0x0] =	vst.idx.add.f32.msk $0xffff, v12  }
0x143: {  	[tilespmem:v6+s22+$0x0] =	vst.idx.add.f32.msk $0xffff, v14  }
0x144: {  	[tilespmem:v4+s22+$0x0] =	vst.idx.add.f32.msk $0xffff, v13  }
.LBB2_22:
0x145: {  	s0 =	simm.s32 $0x0;
	s11 =	simm.s32 $0x16080  }
0x146: {  	s17 =	simm.s32 $0x9C80;
	s30 =	simm.s32 $0x0;
	s31 =	simm.s32 $0x0  }
.LBB2_23:
0x147: {  	s1 =	smul.u32 $0x7D0, s31;
	_ =	sdelay $0x1  }
0x148: {  	s1 =	sadd.s32 s6, s1  }
0x149: {  	s18 =	sshrl.u32 s1, $0x3  }
0x14a: {  	s1 =	sadd.s32 s4, s18  }
0x14b: {  	[tilespmem:s25], [sflag:$0x7] =	stream.linear.gather [hbm4b:s1+s0], $0x7D0, $0x38;
	[tilespmem:$0x1DC00] =	vst v63  }
0x14c: {  	_ =	swait.ge [sflag:s12], $0x7D0  }
0x14d: {  	[sflag:s12] =	ssyncset.done $0x0  }
0x14e: {  	s13 =	sadd.s32 s5, s18;
	[sflag:s12] =	ssyncadd.s32 $0xFFFFF830  }
0x14f: {  	v4 =	vmov s30;
	[tilespmem:s26], [sflag:$0x7] =	stream.linear.gather [hbm4b:s13+s0], $0x7D0, $0x38;
	[tilespmem:$0x1DC00] =	vst v63  }
0x150: {  	_ =	swait.ge [sflag:s12], $0x7D0  }
0x151: {  	v5 =	vmov s17;
	[sflag:s12] =	ssyncset.done $0x0  }
0x152: {  	[sflag:s12] =	ssyncadd.s32 $0xFFFFF830  }
0x153: {  	s10 =	simm.s32 $0x40;
	s1 =	smov.u32 s11;
	s13 =	simm.s32 $0x0;
	v6 =	vld [tilespmem:s11+$0x0]  }
.LBB2_24:
0x154: {  	p0 =	sne.s32 s10, $0x1F00;
	v7 =	vld.idx.msk [tilespmem:v4+s13+$0x0 ss:$0x1], $0xffff;
	_ =	sdelay $0x1  }
0x155: {  	v8 =	vld.idx.msk [tilespmem:v5+s13+$0x0 ss:$0x1], $0xffff;
	_ =	sdelay $0x1  }
0x156: {  	v6 =	vperm.xlane v6, v3;
	_ =	sdelay $0x1  }
0x157: {  	v6 =	vmul.f32 v6, v7  }
0x158: {  	v9 =	vld [tilespmem:s13+$0x1C400]  }
0x159: {  	v6 =	vsub.f32 v8, v6  }
0x15a: {  	v8 =	vld [tilespmem:s13+$0x1CC00]  }
0x15b: {  	v6 =	vmul.f32 v6, v0;
	_ =	sdelay $0x1  }
0x15c: {  	v6 =	vsub.f32 v6, v9;
	_ =	sdelay $0x1  }
0x15d: {  	v6 =	vsub.f32 v6, v8;
	_ =	sdelay $0x1  }
0x15e: {  	v6 =	vmul.f32 $-1.000000010e-01, v6;
	_ =	sdelay $0x1  }
.Ltmp15:
0x15f: {  	v6 =	vadd.f32 v6, v7;
	(pc) =	sbr.rel @p0 .LBB2_24-.Ltmp15, $4  }
0x160: {  	_ = 	snop  }
0x161: {  	v6 =	vmax.f32 v6, $0.0e+00  }
0x162: {  	s1 =	sadd.s32 $0x4, s1;
	[tilespmem:s13+$0x1D400] =	vst v6  }
0x163: {  	s13 =	sshra.s32 s10, $0x2;
	s10 =	sadd.s32 $0x40, s10;
	v6 =	vld [tilespmem:s1+$0x0]  }
0x164: {  	_ =	sdelay $0x3  }
0x165: {  	v4 =	vld.idx.msk [tilespmem:v4+s13+$0x0 ss:$0x1], $0xffff;
	_ =	sdelay $0x1  }
0x166: {  	v5 =	vld.idx.msk [tilespmem:v5+s13+$0x0 ss:$0x1], $0xffff  }
0x167: {  	v6 =	vperm.xlane v6, v3;
	_ =	sdelay $0x1  }
0x168: {  	v6 =	vmul.f32 v6, v4  }
0x169: {  	v7 =	vld [tilespmem:s13+$0x1C400]  }
0x16a: {  	v5 =	vsub.f32 v5, v6  }
0x16b: {  	v63 =	vld [tilespmem:s13+$0x1CC00]  }
0x16c: {  	v5 =	vmul.f32 v5, v0;
	_ =	sdelay $0x1  }
0x16d: {  	v5 =	vsub.f32 v5, v7;
	_ =	sdelay $0x1  }
0x16e: {  	v5 =	vsub.f32 v5, v63;
	_ =	sdelay $0x1  }
0x16f: {  	v5 =	vmul.f32 $-1.000000010e-01, v5;
	_ =	sdelay $0x1  }
0x170: {  	v4 =	vadd.f32 v5, v4  }
0x171: {  	s31 =	sadd.s32 $0x1, s31  }
0x172: {  	p0 =	sne.s32 s31, $0x14;
	v4 =	vmax.f32 v4, $0.0e+00  }
.Ltmp16:
0x173: {  	s1 =	sadd.s32 s9, s18;
	[tilespmem:s13+$0x1D400] =	vst v4;
	(pc) =	sbr.rel @p0 .LBB2_23-.Ltmp16, $4  }
0x174: {  	[hbm4b:s1+s3] =	stream.linear.scatter [tilespmem:s28], [sflag:$0x7], $0x7D0, $0x38;
	[tilespmem:$0x1DC00] =	vst v63  }
0x175: {  	_ =	swait.ge [sflag:s12], $0x7D0  }
0x176: {  	s11 =	sadd.s32 $0x1F4, s11;
	[sflag:s12] =	ssyncset.done $0x0  }
0x177: {  	s30 =	sadd.s32 $0x7D0, s30;
	s17 =	sadd.s32 $0x7D0, s17;
	[sflag:s12] =	ssyncadd.s32 $0xFFFFF830  }
0x178: {  	s29 =	sadd.s32 $0x1, s29;
	s0 =	rddreg [dreg:$0x5]  }
0x179: {  	p0 =	sne.s32 s29, s0  }
.Ltmp17:
0x17a: {  	_ = 	snop;
	(pc) =	sbr.rel @p0 .LBB2_1-.Ltmp17, $2  }
0x17b: {  	_ =	sdelay $0x2  }
0x17c: {  	s13 =	simm.s32 $0x18800  }
0x17d: {  	_ =	sfence.sel $0x180000  }
0x17e: {  	[bflag:$0x0] =	sbarrier.arrive $0xFFFF  }
0x17f: {  	_ =	strace $0x90000047  }
0x180: {  	s0 =	stileid.u32;
	[bflag:$0x2] =	sbarrier.arrive $0xFFFF  }
0x181: {  	p0 =	sne.s32 s0, $0x0;
	s0 =	rddreg [dreg:$0x3]  }
0x182: {  	s0 =	sadd.s32 @!p0 $0x100000, s0  }
0x183: {  	[sflag:s0] =	ssyncadd.tile.s32 @!p0 $0x1;
	_ =	shalt  }
.Lfunc_end2:
_tile_overlayer_lowered:
.L_overlay_start_2:
0x184: {  	(tag) =	ssettag $0x2  }
0x185: {  	s0 =	rddreg [dreg:$0x0];
	s2 =	stileid.u32  }
0x186: {  	s1 =	rddreg [dreg:$0x1];
	p0 =	sne.s32 s2, $0x0  }
0x187: {  	s3 =	rddreg [dreg:$0x2];
	[bflag:$0x3] =	sbarrier.arrive $0xFFFF;
	s2 =	simm.s32 @!p0 $0x1C07  }
0x188: {  	[timem:s3], [sflag:s2] =	dma.local @!p0 [hbm:s0], s1  }
0x189: {  	s0 =	simm.s32 @!p0 $0x7  }
0x18a: {  	_ =	swait.ge @!p0 [sflag:s0], s1  }
0x18b: {  	s1 =	ssub.s32 @!p0 $0x0, s1;
	[sflag:s0] =	ssyncset.done @!p0 $0x0  }
0x18c: {  	[sflag:s0] =	ssyncadd.s32 @!p0 s1  }
0x18d: {  	[bflag:$0x3] =	sbarrier.arrive $0xFFFF  }
0x18e: {  	_ =	shalt  }

</sc_bundles>
